<compile_context>
chip_gen: v7x
topology: tpu7x:2x2x1
jax: 0.10.2.dev20260603
libtpu: 0.0.44.dev20260713+nightly
codegen_flags: <defaults>
</compile_context>

<pallas_src>
import functools

import jax
import jax.numpy as jnp
from jax.experimental import pallas as pl
from jax.experimental.pallas import tpu as pltpu
from jax.experimental.pallas import tpu_sc as plsc

EPS = 1e-6
RSF = 2.5
NEG = -1e30

S, H = 2048, 768
NH, NKV, HD = 12, 4, 64
RD = 32
E, NG = 8, 4
DFF = 512

BS = 256
BQ = 512
BK = 512


def _rope(t, nh, c, s):
    outs = []
    for h in range(nh):
        b = h * HD
        t1 = t[:, b:b + RD // 2]
        t2 = t[:, b + RD // 2:b + RD]
        outs.append(t1 * c - t2 * s)
        outs.append(t2 * c + t1 * s)
        outs.append(t[:, b + RD:b + HD])
    return jnp.concatenate(outs, axis=1)


def _qkv_kernel(x_ref, cos_ref, sin_ref, w1_ref, qwt_ref, kwt_ref, vwt_ref,
                q_ref, k_ref, v_ref):
    x = x_ref[...]
    xn = x * jax.lax.rsqrt(jnp.mean(x * x, -1, keepdims=True) + EPS) * w1_ref[...]
    xnb = xn.astype(jnp.bfloat16)
    q = jnp.dot(xnb, qwt_ref[...], preferred_element_type=jnp.float32)
    k = jnp.dot(xnb, kwt_ref[...], preferred_element_type=jnp.float32)
    v = jnp.dot(xnb, vwt_ref[...], preferred_element_type=jnp.float32)
    c = cos_ref[...][:, :RD // 2]
    s = sin_ref[...][:, :RD // 2]
    q_ref[...] = _rope(q, NH, c, s).astype(jnp.bfloat16)
    k_ref[...] = _rope(k, NKV, c, s).astype(jnp.bfloat16)
    v_ref[...] = v.astype(jnp.bfloat16)


def _attn_kernel(q_ref, k_ref, vT_ref, o_ref, s_ref):
    qi = pl.program_id(1)
    qb = q_ref[0]
    lanes_q = qi * BQ + jax.lax.broadcasted_iota(jnp.int32, (BK, BQ), 1)

    def b1(j, m):
        kj = k_ref[0, pl.ds(j * BK, BK), :]
        sT = jax.lax.dot_general(kj, qb, (((1,), (1,)), ((), ())),
                                 preferred_element_type=jnp.float32) * (HD ** -0.5)
        subs_k = j * BK + jax.lax.broadcasted_iota(jnp.int32, (BK, BQ), 0)
        sT = jnp.where(subs_k > lanes_q, NEG, sT)
        s_ref[pl.ds(j * BK, BK), :] = sT
        return jnp.maximum(m, jnp.max(sT, 0, keepdims=True))

    nk = (qi + 1) * (BQ // BK)
    m = jax.lax.fori_loop(0, nk, b1, jnp.full((1, BQ), NEG, jnp.float32))

    def b2(j, carry):
        l, acc = carry
        sT = s_ref[pl.ds(j * BK, BK), :]
        pT = jnp.exp(sT - m)
        vj = vT_ref[0, :, pl.ds(j * BK, BK)]
        acc = acc + jax.lax.dot_general(vj, pT.astype(jnp.bfloat16),
                                        (((1,), (0,)), ((), ())),
                                        preferred_element_type=jnp.float32)
        return l + jnp.sum(pT, 0, keepdims=True), acc

    l, acc = jax.lax.fori_loop(0, nk, b2, (jnp.zeros((1, BQ), jnp.float32),
                                           jnp.zeros((HD, BQ), jnp.float32)))
    o_ref[0] = acc / l


def _post_kernel(ao_ref, res_ref, owt_ref, w2_ref, gwt_ref,
                 res2_ref, h2_ref, sc_ref):
    h = res_ref[...] + jnp.dot(ao_ref[...], owt_ref[...],
                               preferred_element_type=jnp.float32)
    res2_ref[...] = h
    h2 = h * jax.lax.rsqrt(jnp.mean(h * h, -1, keepdims=True) + EPS) * w2_ref[...]
    h2_ref[...] = h2
    sc_ref[...] = jax.nn.sigmoid(jnp.dot(h2, gwt_ref[...],
                                         preferred_element_type=jnp.float32))


def _top1_mask(vals):
    m = jnp.max(vals, -1, keepdims=True)
    eq = vals == m
    k = vals.shape[-1]
    io = jax.lax.broadcasted_iota(jnp.int32, vals.shape, 1)
    first = jnp.min(jnp.where(eq, io, k), -1, keepdims=True)
    return io == first


BLK = 256
CAP = 4096 + 8 * BLK
NBLK = CAP // BLK


def _route_kernel(sc_ref, gb_ref, w_ref, p_ref, blk_ref):
    sc = sc_ref[...]
    sfc = sc + gb_ref[...]
    g = jnp.concatenate(
        [sfc[:, 2 * j:2 * j + 1] + sfc[:, 2 * j + 1:2 * j + 2]
         for j in range(NG)], axis=1)
    g1 = _top1_mask(g)
    g2 = _top1_mask(jnp.where(g1, NEG, g))
    gm = jnp.where(g1 | g2, 1.0, 0.0)
    smask = jnp.concatenate([gm[:, j // 2:j // 2 + 1] for j in range(E)],
                            axis=1)
    tmp = jnp.where(smask > 0.5, sfc, NEG)
    e1 = _top1_mask(tmp)
    e2 = _top1_mask(jnp.where(e1, NEG, tmp))
    tw1 = jnp.sum(jnp.where(e1, sc, 0.0), -1, keepdims=True)
    tw2 = jnp.sum(jnp.where(e2, sc, 0.0), -1, keepdims=True)
    denom = tw1 + tw2 + 1e-20
    w_ref[...] = jnp.concatenate([tw1, tw2], axis=1) / denom * RSF
    e1f = jnp.where(e1, 1.0, 0.0)
    e2f = jnp.where(e2, 1.0, 0.0)
    m = e1f + e2f
    tri = (jax.lax.broadcasted_iota(jnp.int32, (BS, BS), 0) >
           jax.lax.broadcasted_iota(jnp.int32, (BS, BS), 1)).astype(jnp.float32)
    ranks = []
    carry = jnp.zeros((1, E), jnp.float32)
    for c in range(S // BS):
        mc = m[c * BS:(c + 1) * BS]
        ranks.append(jax.lax.dot_general(
            tri, mc, (((1,), (0,)), ((), ())),
            precision=jax.lax.Precision.HIGHEST,
            preferred_element_type=jnp.float32) + carry)
        carry = carry + jnp.sum(mc, 0, keepdims=True)
    rank = jnp.concatenate(ranks, axis=0)
    counts = carry
    rc = jnp.floor((counts + (BLK - 1)) / BLK) * BLK
    ends = jnp.concatenate(
        [jnp.sum(rc[:, :j + 1], axis=1, keepdims=True) for j in range(E)],
        axis=1)
    starts = ends - rc
    pos = starts + rank
    p0 = jnp.sum(e1f * pos, axis=1, keepdims=True)
    p1 = jnp.sum(e2f * pos, axis=1, keepdims=True)
    p_ref[...] = jnp.concatenate([p0, p1], axis=1).astype(jnp.int32)
    bI = (jax.lax.broadcasted_iota(jnp.int32, (1, NBLK), 1) * BLK
          ).astype(jnp.float32)
    acc = jnp.zeros((1, NBLK), jnp.int32)
    for e in range(E):
        acc = acc + jnp.where(bI >= ends[:, e:e + 1], 1, 0)
    blk_ref[...] = acc


def _moe_kernel(blk_ref, xg_ref, wg_ref, wu_ref, wd_ref, yg_ref):
    xb = xg_ref[...].astype(jnp.bfloat16)
    hg = jnp.dot(xb, wg_ref[0], preferred_element_type=jnp.float32)
    hu = jnp.dot(xb, wu_ref[0], preferred_element_type=jnp.float32)
    act = (hg * jax.lax.logistic(hg) * hu).astype(jnp.bfloat16)
    yg_ref[...] = jnp.dot(act, wd_ref[0], preferred_element_type=jnp.float32)


def _combine_kernel(res_ref, y0_ref, y1_ref, w_ref, out_ref):
    w = w_ref[...]
    out_ref[...] = (res_ref[...] + w[:, 0:1] * y0_ref[...]
                    + w[:, 1:2] * y1_ref[...])


def _sc_dispatch(xi_hbm, p0_hbm, p1_hbm, xg_hbm, idx_v, rows_v, sem):
    nc, ns = 2, 16
    wid = jax.lax.axis_index("s") * nc + jax.lax.axis_index("c")
    chunk = S // (nc * ns)
    base = wid * chunk
    pltpu.sync_copy(xi_hbm.at[pl.ds(base, chunk)], rows_v)
    pltpu.sync_copy(p0_hbm.at[pl.ds(base, chunk)], idx_v)
    pltpu.async_copy(rows_v, xg_hbm.at[idx_v], sem).wait()
    pltpu.sync_copy(p1_hbm.at[pl.ds(base, chunk)], idx_v)
    pltpu.async_copy(rows_v, xg_hbm.at[idx_v], sem).wait()


def _sc_combine(yg_hbm, p0_hbm, p1_hbm, y0_hbm, y1_hbm, idx_v, rows_v, sem):
    nc, ns = 2, 16
    wid = jax.lax.axis_index("s") * nc + jax.lax.axis_index("c")
    chunk = S // (nc * ns)
    base = wid * chunk
    pltpu.sync_copy(p0_hbm.at[pl.ds(base, chunk)], idx_v)
    pltpu.async_copy(yg_hbm.at[idx_v], rows_v, sem).wait()
    pltpu.sync_copy(rows_v, y0_hbm.at[pl.ds(base, chunk)])
    pltpu.sync_copy(p1_hbm.at[pl.ds(base, chunk)], idx_v)
    pltpu.async_copy(yg_hbm.at[idx_v], rows_v, sem).wait()
    pltpu.sync_copy(rows_v, y1_hbm.at[pl.ds(base, chunk)])


def kernel(hidden_states, cos, sin, ln1_w, ln2_w, q_w, k_w, v_w, o_w,
           gate_w, gate_b, wg, wu, wd):
    x = hidden_states.reshape(S, H)
    cos2 = cos.reshape(S, RD)
    sin2 = sin.reshape(S, RD)

    q, k, v = pl.pallas_call(
        _qkv_kernel,
        grid=(S // BS,),
        in_specs=[
            pl.BlockSpec((BS, H), lambda i: (i, 0)),
            pl.BlockSpec((BS, RD), lambda i: (i, 0)),
            pl.BlockSpec((BS, RD), lambda i: (i, 0)),
            pl.BlockSpec((1, H), lambda i: (0, 0)),
            pl.BlockSpec((H, NH * HD), lambda i: (0, 0)),
            pl.BlockSpec((H, NKV * HD), lambda i: (0, 0)),
            pl.BlockSpec((H, NKV * HD), lambda i: (0, 0)),
        ],
        out_specs=[
            pl.BlockSpec((BS, NH * HD), lambda i: (i, 0)),
            pl.BlockSpec((BS, NKV * HD), lambda i: (i, 0)),
            pl.BlockSpec((BS, NKV * HD), lambda i: (i, 0)),
        ],
        out_shape=[
            jax.ShapeDtypeStruct((S, NH * HD), jnp.bfloat16),
            jax.ShapeDtypeStruct((S, NKV * HD), jnp.bfloat16),
            jax.ShapeDtypeStruct((S, NKV * HD), jnp.bfloat16),
        ],
    )(x, cos2, sin2, ln1_w.reshape(1, H), q_w.T.astype(jnp.bfloat16), k_w.T.astype(jnp.bfloat16), v_w.T.astype(jnp.bfloat16))

    qh = q.reshape(S, NH, HD).transpose(1, 0, 2)
    kh = k.reshape(S, NKV, HD).transpose(1, 0, 2)
    vh = v.reshape(S, NKV, HD).transpose(1, 2, 0)

    rep = NH // NKV
    ao = pl.pallas_call(
        _attn_kernel,
        grid=(NH, S // BQ),
        in_specs=[
            pl.BlockSpec((1, BQ, HD), lambda h, i: (h, i, 0)),
            pl.BlockSpec((1, S, HD), lambda h, i: (h // rep, 0, 0)),
            pl.BlockSpec((1, HD, S), lambda h, i: (h // rep, 0, 0)),
        ],
        out_specs=pl.BlockSpec((1, HD, BQ), lambda h, i: (h, 0, i)),
        out_shape=jax.ShapeDtypeStruct((NH, HD, S), jnp.float32),
        scratch_shapes=[pltpu.VMEM((S, BQ), jnp.float32)],
    )(qh, kh, vh)

    ao2 = ao.transpose(2, 0, 1).reshape(S, NH * HD)

    res2, h2, scores = pl.pallas_call(
        _post_kernel,
        grid=(S // BS,),
        in_specs=[
            pl.BlockSpec((BS, NH * HD), lambda i: (i, 0)),
            pl.BlockSpec((BS, H), lambda i: (i, 0)),
            pl.BlockSpec((NH * HD, H), lambda i: (0, 0)),
            pl.BlockSpec((1, H), lambda i: (0, 0)),
            pl.BlockSpec((H, E), lambda i: (0, 0)),
        ],
        out_specs=[
            pl.BlockSpec((BS, H), lambda i: (i, 0)),
            pl.BlockSpec((BS, H), lambda i: (i, 0)),
            pl.BlockSpec((BS, E), lambda i: (i, 0)),
        ],
        out_shape=[
            jax.ShapeDtypeStruct((S, H), jnp.float32),
            jax.ShapeDtypeStruct((S, H), jnp.float32),
            jax.ShapeDtypeStruct((S, E), jnp.float32),
        ],
    )(ao2.astype(jnp.bfloat16), x, o_w.T.astype(jnp.bfloat16), ln2_w.reshape(1, H), gate_w.T)

    w01, p01, blk_e = pl.pallas_call(
        _route_kernel,
        in_specs=[
            pl.BlockSpec((S, E), lambda: (0, 0)),
            pl.BlockSpec((1, E), lambda: (0, 0)),
        ],
        out_specs=[
            pl.BlockSpec((S, 2), lambda: (0, 0)),
            pl.BlockSpec((S, 2), lambda: (0, 0)),
            pl.BlockSpec((1, NBLK), lambda: (0, 0)),
        ],
        out_shape=[
            jax.ShapeDtypeStruct((S, 2), jnp.float32),
            jax.ShapeDtypeStruct((S, 2), jnp.int32),
            jax.ShapeDtypeStruct((1, NBLK), jnp.int32),
        ],
    )(scores, gate_b.reshape(1, E))

    p0 = p01[:, 0]
    p1 = p01[:, 1]

    sc_mesh = plsc.VectorSubcoreMesh(core_axis_name="c", subcore_axis_name="s")
    chunk = S // 32
    xg = pl.kernel(
        _sc_dispatch,
        mesh=sc_mesh,
        out_type=jax.ShapeDtypeStruct((CAP, H), jnp.float32),
        scratch_types=[
            pltpu.VMEM((chunk,), jnp.int32),
            pltpu.VMEM((chunk, H), jnp.float32),
            pltpu.SemaphoreType.DMA,
        ],
    )(h2, p0, p1)

    yg = pl.pallas_call(
        _moe_kernel,
        grid_spec=pltpu.PrefetchScalarGridSpec(
            num_scalar_prefetch=1,
            grid=(NBLK,),
            in_specs=[
                pl.BlockSpec((BLK, H), lambda i, b: (i, 0)),
                pl.BlockSpec((1, H, DFF), lambda i, b: (b[0, i], 0, 0)),
                pl.BlockSpec((1, H, DFF), lambda i, b: (b[0, i], 0, 0)),
                pl.BlockSpec((1, DFF, H), lambda i, b: (b[0, i], 0, 0)),
            ],
            out_specs=pl.BlockSpec((BLK, H), lambda i, b: (i, 0)),
        ),
        out_shape=jax.ShapeDtypeStruct((CAP, H), jnp.float32),
    )(blk_e, xg, wg.astype(jnp.bfloat16), wu.astype(jnp.bfloat16),
      wd.astype(jnp.bfloat16))

    y0, y1 = pl.kernel(
        _sc_combine,
        mesh=sc_mesh,
        out_type=(jax.ShapeDtypeStruct((S, H), jnp.float32),
                  jax.ShapeDtypeStruct((S, H), jnp.float32)),
        scratch_types=[
            pltpu.VMEM((chunk,), jnp.int32),
            pltpu.VMEM((chunk, H), jnp.float32),
            pltpu.SemaphoreType.DMA,
        ],
    )(yg, p0, p1)

    out = pl.pallas_call(
        _combine_kernel,
        grid=(S // BS,),
        in_specs=[
            pl.BlockSpec((BS, H), lambda i: (i, 0)),
            pl.BlockSpec((BS, H), lambda i: (i, 0)),
            pl.BlockSpec((BS, H), lambda i: (i, 0)),
            pl.BlockSpec((BS, 2), lambda i: (i, 0)),
        ],
        out_specs=pl.BlockSpec((BS, H), lambda i: (i, 0)),
        out_shape=jax.ShapeDtypeStruct((S, H), jnp.float32),
    )(res2, y0, y1, w01)

    return out.reshape(1, S, H)

# --- scband reference (transcript-rebuilt; emitter-appended) ---
"""Pipeline reference for scband-hfmi-mo-v2-decoder-layer-61546881352286 (READ-ONLY COPY).

The authoritative reference and input builder live on the scoring server;
editing this copy changes nothing except your own understanding.
"""

import jax, jax.numpy as jnp
import numpy as np

B, S, H = 1, 2048, 768
NH, NKV, HD, VHD, RD = 12, 4, 64, 64, 32
E, TOPK, NG, TG = 8, 2, 4, 2
DFF = 512
EPS = 1e-6
RSF = 2.5


def setup_inputs(seed: int = 0) -> dict:
    key = jax.random.key(seed)
    ks = jax.random.split(key, 14)
    s = 0.02
    x = jax.random.normal(ks[0], (B, S, H), jnp.float32)
    inv = 1.0 / (10000.0 ** (np.arange(0, RD, 2, dtype=np.float64) / RD))
    fr = np.outer(np.arange(S), inv)
    emb = np.concatenate([fr, fr], axis=-1)
    cos = jnp.asarray(np.cos(emb)[None], jnp.float32)
    sin = jnp.asarray(np.sin(emb)[None], jnp.float32)
    return {
        'hidden_states': x, 'cos': cos, 'sin': sin,
        'ln1_w': jnp.ones((H,), jnp.float32),
        'ln2_w': jnp.ones((H,), jnp.float32),
        'q_w': jax.random.normal(ks[1], (NH * HD, H), jnp.float32) * s,
        'k_w': jax.random.normal(ks[2], (NKV * HD, H), jnp.float32) * s,
        'v_w': jax.random.normal(ks[3], (NKV * VHD, H), jnp.float32) * s,
        'o_w': jax.random.normal(ks[4], (H, NH * VHD), jnp.float32) * s,
        'gate_w': jax.random.normal(ks[5], (E, H), jnp.float32) * s,
        'gate_b': jax.random.normal(ks[6], (E,), jnp.float32) * 0.01,
        'wg': jax.random.normal(ks[7], (E, H, DFF), jnp.float32) * s,
        'wu': jax.random.normal(ks[8], (E, H, DFF), jnp.float32) * s,
        'wd': jax.random.normal(ks[9], (E, DFF, H), jnp.float32) * s,
    }


def _rms(x, w):
    return x * jax.lax.rsqrt(jnp.mean(x * x, -1, keepdims=True) + EPS) * w


def _rot(x):
    h = x.shape[-1] // 2
    return jnp.concatenate([-x[..., h:], x[..., :h]], -1)


def _forward(hidden_states, cos, sin, ln1_w, ln2_w, q_w, k_w, v_w, o_w, gate_w, gate_b, wg, wu, wd):
    # --- input layernorm + attention ---
    res = hidden_states
    h = _rms(hidden_states, ln1_w)
    q = (h @ q_w.T).reshape(B, S, NH, HD).transpose(0, 2, 1, 3)
    k = (h @ k_w.T).reshape(B, S, NKV, HD).transpose(0, 2, 1, 3)
    v = (h @ v_w.T).reshape(B, S, NKV, VHD).transpose(0, 2, 1, 3)
    c = cos[:, None]
    sn = sin[:, None]
    qr, qn = q[..., :RD], q[..., RD:]
    kr, kn = k[..., :RD], k[..., RD:]
    qr = qr * c + _rot(qr) * sn
    kr = kr * c + _rot(kr) * sn
    q = jnp.concatenate([qr, qn], -1)
    k = jnp.concatenate([kr, kn], -1)
    rep = NH // NKV
    k = jnp.repeat(k, rep, axis=1)
    v = jnp.repeat(v, rep, axis=1)
    aw = jnp.einsum('bhqd,bhkd->bhqk', q, k) * (HD ** -0.5)
    mask = jnp.triu(jnp.ones((S, S), bool), 1)
    aw = jnp.where(mask[None, None], -1e30, aw)
    aw = jax.nn.softmax(aw, axis=-1)
    ao = jnp.einsum('bhqk,bhkd->bhqd', aw, v).transpose(0, 2, 1, 3).reshape(B, S, NH * VHD)
    h = res + ao @ o_w.T
    # --- post-attention layernorm + MoE ---
    res = h
    h2 = _rms(h, ln2_w)
    xf = h2.reshape(-1, H)
    n = xf.shape[0]
    scores = jax.nn.sigmoid(xf @ gate_w.T)
    sfc = scores + gate_b[None]
    grp = sfc.reshape(n, NG, -1)
    grp_scores = jax.lax.top_k(grp, 2)[0].sum(-1)
    gidx = jax.lax.top_k(grp_scores, TG)[1]
    gmask = jax.nn.one_hot(gidx, NG).sum(1)
    smask = jnp.repeat(gmask, E // NG, axis=1)
    tmp = jnp.where(smask > 0, sfc, -1e30)
    _, tidx = jax.lax.top_k(tmp, TOPK)
    tw = jnp.take_along_axis(scores, tidx, axis=1)
    tw = tw / (tw.sum(-1, keepdims=True) + 1e-20)
    tw = tw * RSF
    combine = (jax.nn.one_hot(tidx, E) * tw[..., None]).sum(1)  # [n, E]
    hg = jnp.einsum('nd,edf->enf', xf, wg)
    hu = jnp.einsum('nd,edf->enf', xf, wu)
    ye = jnp.einsum('enf,efd->end', jax.nn.silu(hg) * hu, wd)
    moe = jnp.einsum('ne,end->nd', combine, ye).reshape(B, S, H)
    return res + moe


def reference(hidden_states, cos, sin, ln1_w, ln2_w, q_w, k_w, v_w, o_w, gate_w, gate_b, wg, wu, wd):
    return _forward(hidden_states, cos, sin, ln1_w, ln2_w, q_w, k_w, v_w, o_w, gate_w, gate_b, wg, wu, wd)

if __name__ == "__main__":
    import jax
    _d = setup_inputs()
    print(jax.jit(kernel)(*tuple(_d.values())))

</pallas_src>

<mosaic_0001>
#map = affine_map<(d0, d1) -> (0, 0)>
#map1 = affine_map<(d0, d1) -> (0)>
module attributes {stable_mosaic.version = 14 : i64} {
  func.func @_sc_dispatch(%arg0: i32, %arg1: i32, %arg2: memref<2048x768xf32, #tpu.memory_space<hbm>>, %arg3: memref<2048xi32, #tpu.memory_space<hbm>>, %arg4: memref<2048xi32, #tpu.memory_space<hbm>>, %arg5: memref<6144x768xf32, #tpu.memory_space<hbm>>, %arg6: memref<64xi32, #tpu.memory_space<vmem>>, %arg7: memref<64x768xf32, #tpu.memory_space<vmem>>, %arg8: memref<!tpu.dma_semaphore, #tpu.memory_space<semaphore_mem>>) attributes {dimension_semantics = [#tpu.dimension_semantics<core_parallel>, #tpu.dimension_semantics<subcore_parallel>], iteration_bounds = array<i64: 2, 16>, scalar_prefetch = 0 : i64, scratch_operands = 3 : i64, tpu.core_type = #tpu.core_type<sc_vector_subcore>, window_params = [{transform_indices = #map}, {transform_indices = #map1}, {transform_indices = #map1}, {transform_indices = #map}]} {
    %mul3A = arith.constant 2 : i32
    %mul3A_0 = arith.muli %arg1, %mul3A : i32
    %add3A = arith.addi %mul3A_0, %arg0 : i32
    %mul3A_1 = arith.constant 64 : i32
    %mul3A_2 = arith.muli %add3A, %mul3A_1 : i32
    "tpu.region"() ({
      %run_scoped3A = tpu.sem_alloc : memref<!tpu.dma_semaphore, #tpu.memory_space<semaphore_mem>>
      %dma_start3A_13 = arith.constant 0 : i32
      %dma_start3A_14 = tpu.memref_slice %arg2[%mul3A_2, %dma_start3A_13] : memref<2048x768xf32, #tpu.memory_space<hbm>> -> memref<64x768xf32, #tpu.memory_space<hbm>>
      %dma_start3A_15 = arith.constant 0 : i32
      %dma_start3A_16 = tpu.memref_slice %arg2[%mul3A_2, %dma_start3A_15] : memref<2048x768xf32, #tpu.memory_space<hbm>> -> memref<64x768xf32, #tpu.memory_space<hbm>>
      tpu.enqueue_dma source(%dma_start3A_16 : memref<64x768xf32, #tpu.memory_space<hbm>>) target(%arg7 : memref<64x768xf32, #tpu.memory_space<vmem>>) target_semaphore(%run_scoped3A : memref<!tpu.dma_semaphore, #tpu.memory_space<semaphore_mem>>)
      %dma_wait3A_17 = arith.constant 0 : i32
      %dma_wait3A_18 = tpu.memref_slice %arg2[%mul3A_2, %dma_wait3A_17] : memref<2048x768xf32, #tpu.memory_space<hbm>> -> memref<64x768xf32, #tpu.memory_space<hbm>>
      %dma_wait3A_19 = arith.constant 0 : i32
      %dma_wait3A_20 = tpu.memref_slice %arg2[%mul3A_2, %dma_wait3A_19] : memref<2048x768xf32, #tpu.memory_space<hbm>> -> memref<64x768xf32, #tpu.memory_space<hbm>>
      tpu.wait_dma2 semaphore(%run_scoped3A : memref<!tpu.dma_semaphore, #tpu.memory_space<semaphore_mem>>) src(%dma_wait3A_20 : memref<64x768xf32, #tpu.memory_space<hbm>>) dst(%arg7 : memref<64x768xf32, #tpu.memory_space<vmem>>)
      tpu.yield
    }) : () -> ()
    "tpu.region"() ({
      %run_scoped3A = tpu.sem_alloc : memref<!tpu.dma_semaphore, #tpu.memory_space<semaphore_mem>>
      %dma_start3A_13 = tpu.memref_slice %arg3[%mul3A_2] : memref<2048xi32, #tpu.memory_space<hbm>> -> memref<64xi32, #tpu.memory_space<hbm>>
      %dma_start3A_14 = tpu.memref_slice %arg3[%mul3A_2] : memref<2048xi32, #tpu.memory_space<hbm>> -> memref<64xi32, #tpu.memory_space<hbm>>
      tpu.enqueue_dma source(%dma_start3A_14 : memref<64xi32, #tpu.memory_space<hbm>>) target(%arg6 : memref<64xi32, #tpu.memory_space<vmem>>) target_semaphore(%run_scoped3A : memref<!tpu.dma_semaphore, #tpu.memory_space<semaphore_mem>>)
      %dma_wait3A_15 = tpu.memref_slice %arg3[%mul3A_2] : memref<2048xi32, #tpu.memory_space<hbm>> -> memref<64xi32, #tpu.memory_space<hbm>>
      %dma_wait3A_16 = tpu.memref_slice %arg3[%mul3A_2] : memref<2048xi32, #tpu.memory_space<hbm>> -> memref<64xi32, #tpu.memory_space<hbm>>
      tpu.wait_dma2 semaphore(%run_scoped3A : memref<!tpu.dma_semaphore, #tpu.memory_space<semaphore_mem>>) src(%dma_wait3A_16 : memref<64xi32, #tpu.memory_space<hbm>>) dst(%arg6 : memref<64xi32, #tpu.memory_space<vmem>>)
      tpu.yield
    }) : () -> ()
    %dma_start3A = arith.constant 0 : i32
    %dma_start3A_3 = arith.constant 0 : i32
    %dma_start3A_4 = tpu.memref_slice %arg5[%dma_start3A, %dma_start3A_3] : memref<6144x768xf32, #tpu.memory_space<hbm>> -> memref<6144x768xf32, #tpu.memory_space<hbm>>
    tpu.enqueue_indirect_dma source(%arg7 : memref<64x768xf32, #tpu.memory_space<vmem>>) target(%dma_start3A_4 : memref<6144x768xf32, #tpu.memory_space<hbm>>) offsets(%arg6 : memref<64xi32, #tpu.memory_space<vmem>>) semaphore(%arg8 : memref<!tpu.dma_semaphore, #tpu.memory_space<semaphore_mem>>)
    %dma_wait3A = arith.constant 0 : i32
    %dma_wait3A_5 = arith.constant 0 : i32
    %dma_wait3A_6 = tpu.memref_slice %arg5[%dma_wait3A, %dma_wait3A_5] : memref<6144x768xf32, #tpu.memory_space<hbm>> -> memref<6144x768xf32, #tpu.memory_space<hbm>>
    tpu.wait_indirect_dma semaphore(%arg8 : memref<!tpu.dma_semaphore, #tpu.memory_space<semaphore_mem>>) src(%arg7 : memref<64x768xf32, #tpu.memory_space<vmem>>) dst(%dma_wait3A_6 : memref<6144x768xf32, #tpu.memory_space<hbm>>)
    "tpu.region"() ({
      %run_scoped3A = tpu.sem_alloc : memref<!tpu.dma_semaphore, #tpu.memory_space<semaphore_mem>>
      %dma_start3A_13 = tpu.memref_slice %arg4[%mul3A_2] : memref<2048xi32, #tpu.memory_space<hbm>> -> memref<64xi32, #tpu.memory_space<hbm>>
      %dma_start3A_14 = tpu.memref_slice %arg4[%mul3A_2] : memref<2048xi32, #tpu.memory_space<hbm>> -> memref<64xi32, #tpu.memory_space<hbm>>
      tpu.enqueue_dma source(%dma_start3A_14 : memref<64xi32, #tpu.memory_space<hbm>>) target(%arg6 : memref<64xi32, #tpu.memory_space<vmem>>) target_semaphore(%run_scoped3A : memref<!tpu.dma_semaphore, #tpu.memory_space<semaphore_mem>>)
      %dma_wait3A_15 = tpu.memref_slice %arg4[%mul3A_2] : memref<2048xi32, #tpu.memory_space<hbm>> -> memref<64xi32, #tpu.memory_space<hbm>>
      %dma_wait3A_16 = tpu.memref_slice %arg4[%mul3A_2] : memref<2048xi32, #tpu.memory_space<hbm>> -> memref<64xi32, #tpu.memory_space<hbm>>
      tpu.wait_dma2 semaphore(%run_scoped3A : memref<!tpu.dma_semaphore, #tpu.memory_space<semaphore_mem>>) src(%dma_wait3A_16 : memref<64xi32, #tpu.memory_space<hbm>>) dst(%arg6 : memref<64xi32, #tpu.memory_space<vmem>>)
      tpu.yield
    }) : () -> ()
    %dma_start3A_7 = arith.constant 0 : i32
    %dma_start3A_8 = arith.constant 0 : i32
    %dma_start3A_9 = tpu.memref_slice %arg5[%dma_start3A_7, %dma_start3A_8] : memref<6144x768xf32, #tpu.memory_space<hbm>> -> memref<6144x768xf32, #tpu.memory_space<hbm>>
    tpu.enqueue_indirect_dma source(%arg7 : memref<64x768xf32, #tpu.memory_space<vmem>>) target(%dma_start3A_9 : memref<6144x768xf32, #tpu.memory_space<hbm>>) offsets(%arg6 : memref<64xi32, #tpu.memory_space<vmem>>) semaphore(%arg8 : memref<!tpu.dma_semaphore, #tpu.memory_space<semaphore_mem>>)
    %dma_wait3A_10 = arith.constant 0 : i32
    %dma_wait3A_11 = arith.constant 0 : i32
    %dma_wait3A_12 = tpu.memref_slice %arg5[%dma_wait3A_10, %dma_wait3A_11] : memref<6144x768xf32, #tpu.memory_space<hbm>> -> memref<6144x768xf32, #tpu.memory_space<hbm>>
    tpu.wait_indirect_dma semaphore(%arg8 : memref<!tpu.dma_semaphore, #tpu.memory_space<semaphore_mem>>) src(%arg7 : memref<64x768xf32, #tpu.memory_space<vmem>>) dst(%dma_wait3A_12 : memref<6144x768xf32, #tpu.memory_space<hbm>>)
    return
  }
}

#map = affine_map<(d0, d1) -> (0, 0)>
#map1 = affine_map<(d0, d1) -> (0)>
module attributes {stable_mosaic.version = 14 : i64} {
  func.func @_sc_combine(%arg0: i32, %arg1: i32, %arg2: memref<6144x768xf32, #tpu.memory_space<hbm>>, %arg3: memref<2048xi32, #tpu.memory_space<hbm>>, %arg4: memref<2048xi32, #tpu.memory_space<hbm>>, %arg5: memref<2048x768xf32, #tpu.memory_space<hbm>>, %arg6: memref<2048x768xf32, #tpu.memory_space<hbm>>, %arg7: memref<64xi32, #tpu.memory_space<vmem>>, %arg8: memref<64x768xf32, #tpu.memory_space<vmem>>, %arg9: memref<!tpu.dma_semaphore, #tpu.memory_space<semaphore_mem>>) attributes {dimension_semantics = [#tpu.dimension_semantics<core_parallel>, #tpu.dimension_semantics<subcore_parallel>], iteration_bounds = array<i64: 2, 16>, scalar_prefetch = 0 : i64, scratch_operands = 3 : i64, tpu.core_type = #tpu.core_type<sc_vector_subcore>, window_params = [{transform_indices = #map}, {transform_indices = #map1}, {transform_indices = #map1}, {transform_indices = #map}, {transform_indices = #map}]} {
    %mul3A = arith.constant 2 : i32
    %mul3A_0 = arith.muli %arg1, %mul3A : i32
    %add3A = arith.addi %mul3A_0, %arg0 : i32
    %mul3A_1 = arith.constant 64 : i32
    %mul3A_2 = arith.muli %add3A, %mul3A_1 : i32
    "tpu.region"() ({
      %run_scoped3A = tpu.sem_alloc : memref<!tpu.dma_semaphore, #tpu.memory_space<semaphore_mem>>
      %dma_start3A_13 = tpu.memref_slice %arg3[%mul3A_2] : memref<2048xi32, #tpu.memory_space<hbm>> -> memref<64xi32, #tpu.memory_space<hbm>>
      %dma_start3A_14 = tpu.memref_slice %arg3[%mul3A_2] : memref<2048xi32, #tpu.memory_space<hbm>> -> memref<64xi32, #tpu.memory_space<hbm>>
      tpu.enqueue_dma source(%dma_start3A_14 : memref<64xi32, #tpu.memory_space<hbm>>) target(%arg7 : memref<64xi32, #tpu.memory_space<vmem>>) target_semaphore(%run_scoped3A : memref<!tpu.dma_semaphore, #tpu.memory_space<semaphore_mem>>)
      %dma_wait3A_15 = tpu.memref_slice %arg3[%mul3A_2] : memref<2048xi32, #tpu.memory_space<hbm>> -> memref<64xi32, #tpu.memory_space<hbm>>
      %dma_wait3A_16 = tpu.memref_slice %arg3[%mul3A_2] : memref<2048xi32, #tpu.memory_space<hbm>> -> memref<64xi32, #tpu.memory_space<hbm>>
      tpu.wait_dma2 semaphore(%run_scoped3A : memref<!tpu.dma_semaphore, #tpu.memory_space<semaphore_mem>>) src(%dma_wait3A_16 : memref<64xi32, #tpu.memory_space<hbm>>) dst(%arg7 : memref<64xi32, #tpu.memory_space<vmem>>)
      tpu.yield
    }) : () -> ()
    %dma_start3A = arith.constant 0 : i32
    %dma_start3A_3 = arith.constant 0 : i32
    %dma_start3A_4 = tpu.memref_slice %arg2[%dma_start3A, %dma_start3A_3] : memref<6144x768xf32, #tpu.memory_space<hbm>> -> memref<6144x768xf32, #tpu.memory_space<hbm>>
    tpu.enqueue_indirect_dma source(%dma_start3A_4 : memref<6144x768xf32, #tpu.memory_space<hbm>>) target(%arg8 : memref<64x768xf32, #tpu.memory_space<vmem>>) offsets(%arg7 : memref<64xi32, #tpu.memory_space<vmem>>) semaphore(%arg9 : memref<!tpu.dma_semaphore, #tpu.memory_space<semaphore_mem>>)
    %dma_wait3A = arith.constant 0 : i32
    %dma_wait3A_5 = arith.constant 0 : i32
    %dma_wait3A_6 = tpu.memref_slice %arg2[%dma_wait3A, %dma_wait3A_5] : memref<6144x768xf32, #tpu.memory_space<hbm>> -> memref<6144x768xf32, #tpu.memory_space<hbm>>
    tpu.wait_indirect_dma semaphore(%arg9 : memref<!tpu.dma_semaphore, #tpu.memory_space<semaphore_mem>>) src(%dma_wait3A_6 : memref<6144x768xf32, #tpu.memory_space<hbm>>) dst(%arg8 : memref<64x768xf32, #tpu.memory_space<vmem>>)
    "tpu.region"() ({
      %run_scoped3A = tpu.sem_alloc : memref<!tpu.dma_semaphore, #tpu.memory_space<semaphore_mem>>
      %dma_start3A_13 = arith.constant 0 : i32
      %dma_start3A_14 = tpu.memref_slice %arg5[%mul3A_2, %dma_start3A_13] : memref<2048x768xf32, #tpu.memory_space<hbm>> -> memref<64x768xf32, #tpu.memory_space<hbm>>
      %dma_start3A_15 = arith.constant 0 : i32
      %dma_start3A_16 = tpu.memref_slice %arg5[%mul3A_2, %dma_start3A_15] : memref<2048x768xf32, #tpu.memory_space<hbm>> -> memref<64x768xf32, #tpu.memory_space<hbm>>
      tpu.enqueue_dma source(%arg8 : memref<64x768xf32, #tpu.memory_space<vmem>>) target(%dma_start3A_16 : memref<64x768xf32, #tpu.memory_space<hbm>>) target_semaphore(%run_scoped3A : memref<!tpu.dma_semaphore, #tpu.memory_space<semaphore_mem>>)
      %dma_wait3A_17 = arith.constant 0 : i32
      %dma_wait3A_18 = tpu.memref_slice %arg5[%mul3A_2, %dma_wait3A_17] : memref<2048x768xf32, #tpu.memory_space<hbm>> -> memref<64x768xf32, #tpu.memory_space<hbm>>
      %dma_wait3A_19 = arith.constant 0 : i32
      %dma_wait3A_20 = tpu.memref_slice %arg5[%mul3A_2, %dma_wait3A_19] : memref<2048x768xf32, #tpu.memory_space<hbm>> -> memref<64x768xf32, #tpu.memory_space<hbm>>
      tpu.wait_dma2 semaphore(%run_scoped3A : memref<!tpu.dma_semaphore, #tpu.memory_space<semaphore_mem>>) src(%arg8 : memref<64x768xf32, #tpu.memory_space<vmem>>) dst(%dma_wait3A_20 : memref<64x768xf32, #tpu.memory_space<hbm>>)
      tpu.yield
    }) : () -> ()
    "tpu.region"() ({
      %run_scoped3A = tpu.sem_alloc : memref<!tpu.dma_semaphore, #tpu.memory_space<semaphore_mem>>
      %dma_start3A_13 = tpu.memref_slice %arg4[%mul3A_2] : memref<2048xi32, #tpu.memory_space<hbm>> -> memref<64xi32, #tpu.memory_space<hbm>>
      %dma_start3A_14 = tpu.memref_slice %arg4[%mul3A_2] : memref<2048xi32, #tpu.memory_space<hbm>> -> memref<64xi32, #tpu.memory_space<hbm>>
      tpu.enqueue_dma source(%dma_start3A_14 : memref<64xi32, #tpu.memory_space<hbm>>) target(%arg7 : memref<64xi32, #tpu.memory_space<vmem>>) target_semaphore(%run_scoped3A : memref<!tpu.dma_semaphore, #tpu.memory_space<semaphore_mem>>)
      %dma_wait3A_15 = tpu.memref_slice %arg4[%mul3A_2] : memref<2048xi32, #tpu.memory_space<hbm>> -> memref<64xi32, #tpu.memory_space<hbm>>
      %dma_wait3A_16 = tpu.memref_slice %arg4[%mul3A_2] : memref<2048xi32, #tpu.memory_space<hbm>> -> memref<64xi32, #tpu.memory_space<hbm>>
      tpu.wait_dma2 semaphore(%run_scoped3A : memref<!tpu.dma_semaphore, #tpu.memory_space<semaphore_mem>>) src(%dma_wait3A_16 : memref<64xi32, #tpu.memory_space<hbm>>) dst(%arg7 : memref<64xi32, #tpu.memory_space<vmem>>)
      tpu.yield
    }) : () -> ()
    %dma_start3A_7 = arith.constant 0 : i32
    %dma_start3A_8 = arith.constant 0 : i32
    %dma_start3A_9 = tpu.memref_slice %arg2[%dma_start3A_7, %dma_start3A_8] : memref<6144x768xf32, #tpu.memory_space<hbm>> -> memref<6144x768xf32, #tpu.memory_space<hbm>>
    tpu.enqueue_indirect_dma source(%dma_start3A_9 : memref<6144x768xf32, #tpu.memory_space<hbm>>) target(%arg8 : memref<64x768xf32, #tpu.memory_space<vmem>>) offsets(%arg7 : memref<64xi32, #tpu.memory_space<vmem>>) semaphore(%arg9 : memref<!tpu.dma_semaphore, #tpu.memory_space<semaphore_mem>>)
    %dma_wait3A_10 = arith.constant 0 : i32
    %dma_wait3A_11 = arith.constant 0 : i32
    %dma_wait3A_12 = tpu.memref_slice %arg2[%dma_wait3A_10, %dma_wait3A_11] : memref<6144x768xf32, #tpu.memory_space<hbm>> -> memref<6144x768xf32, #tpu.memory_space<hbm>>
    tpu.wait_indirect_dma semaphore(%arg9 : memref<!tpu.dma_semaphore, #tpu.memory_space<semaphore_mem>>) src(%dma_wait3A_12 : memref<6144x768xf32, #tpu.memory_space<hbm>>) dst(%arg8 : memref<64x768xf32, #tpu.memory_space<vmem>>)
    "tpu.region"() ({
      %run_scoped3A = tpu.sem_alloc : memref<!tpu.dma_semaphore, #tpu.memory_space<semaphore_mem>>
      %dma_start3A_13 = arith.constant 0 : i32
      %dma_start3A_14 = tpu.memref_slice %arg6[%mul3A_2, %dma_start3A_13] : memref<2048x768xf32, #tpu.memory_space<hbm>> -> memref<64x768xf32, #tpu.memory_space<hbm>>
      %dma_start3A_15 = arith.constant 0 : i32
      %dma_start3A_16 = tpu.memref_slice %arg6[%mul3A_2, %dma_start3A_15] : memref<2048x768xf32, #tpu.memory_space<hbm>> -> memref<64x768xf32, #tpu.memory_space<hbm>>
      tpu.enqueue_dma source(%arg8 : memref<64x768xf32, #tpu.memory_space<vmem>>) target(%dma_start3A_16 : memref<64x768xf32, #tpu.memory_space<hbm>>) target_semaphore(%run_scoped3A : memref<!tpu.dma_semaphore, #tpu.memory_space<semaphore_mem>>)
      %dma_wait3A_17 = arith.constant 0 : i32
      %dma_wait3A_18 = tpu.memref_slice %arg6[%mul3A_2, %dma_wait3A_17] : memref<2048x768xf32, #tpu.memory_space<hbm>> -> memref<64x768xf32, #tpu.memory_space<hbm>>
      %dma_wait3A_19 = arith.constant 0 : i32
      %dma_wait3A_20 = tpu.memref_slice %arg6[%mul3A_2, %dma_wait3A_19] : memref<2048x768xf32, #tpu.memory_space<hbm>> -> memref<64x768xf32, #tpu.memory_space<hbm>>
      tpu.wait_dma2 semaphore(%run_scoped3A : memref<!tpu.dma_semaphore, #tpu.memory_space<semaphore_mem>>) src(%arg8 : memref<64x768xf32, #tpu.memory_space<vmem>>) dst(%dma_wait3A_20 : memref<64x768xf32, #tpu.memory_space<hbm>>)
      tpu.yield
    }) : () -> ()
    return
  }
}

module attributes {stable_mosaic.version = 14 : i64} {
  func.func @_qkv_kernel(%arg0: i32, %arg1: memref<256x768xf32, #tpu.memory_space<vmem>>, %arg2: memref<256x32xf32, #tpu.memory_space<vmem>>, %arg3: memref<256x32xf32, #tpu.memory_space<vmem>>, %arg4: memref<1x768xf32, #tpu.memory_space<vmem>>, %arg5: memref<768x768xbf16, #tpu.memory_space<vmem>>, %arg6: memref<768x256xbf16, #tpu.memory_space<vmem>>, %arg7: memref<768x256xbf16, #tpu.memory_space<vmem>>, %arg8: memref<256x768xbf16, #tpu.memory_space<vmem>>, %arg9: memref<256x256xbf16, #tpu.memory_space<vmem>>, %arg10: memref<256x256xbf16, #tpu.memory_space<vmem>>) attributes {dimension_semantics = [#tpu.dimension_semantics<arbitrary>], iteration_bounds = array<i64: 8>, scalar_prefetch = 0 : i64, scratch_operands = 0 : i64, tpu.core_type = #tpu.core_type<tc>, window_params = [{transform_indices = @transform_0, window_bounds = array<i64: 256, 768>}, {transform_indices = @transform_1, window_bounds = array<i64: 256, 32>}, {transform_indices = @transform_2, window_bounds = array<i64: 256, 32>}, {pipeline_mode = #tpu.pipeline_mode<synchronous>, transform_indices = @transform_3, window_bounds = array<i64: 1, 768>}, {pipeline_mode = #tpu.pipeline_mode<synchronous>, transform_indices = @transform_4, window_bounds = array<i64: 768, 768>}, {pipeline_mode = #tpu.pipeline_mode<synchronous>, transform_indices = @transform_5, window_bounds = array<i64: 768, 256>}, {pipeline_mode = #tpu.pipeline_mode<synchronous>, transform_indices = @transform_6, window_bounds = array<i64: 768, 256>}, {transform_indices = @transform_7, window_bounds = array<i64: 256, 768>}, {transform_indices = @transform_8, window_bounds = array<i64: 256, 256>}, {transform_indices = @transform_9, window_bounds = array<i64: 256, 256>}]} {
    %get3A = arith.constant 0 : index
    %get3A_0 = arith.constant 0 : index
    %get3A_1 = vector.load %arg1[%get3A, %get3A_0] : memref<256x768xf32, #tpu.memory_space<vmem>>, vector<256x768xf32>
    %mul3A = arith.mulf %get3A_1, %get3A_1 : vector<256x768xf32>
    %reduce_sum3A = arith.constant dense<0.000000e+00> : vector<256xf32>
    %reduce_sum3A_2 = vector.multi_reduction <add>, %mul3A, %reduce_sum3A [1] : vector<256x768xf32> to vector<256xf32>
    %broadcast_in_dim3A = vector.shape_cast %reduce_sum3A_2 : vector<256xf32> to vector<256x1xf32>
    %div3A = arith.constant 7.680000e+02 : f32
    %div3A_3 = vector.broadcast %div3A : f32 to vector<256x1xf32>
    %div3A_4 = arith.divf %broadcast_in_dim3A, %div3A_3 : vector<256x1xf32>
    %add3A = arith.constant 9.99999997E-7 : f32
    %add3A_5 = vector.broadcast %add3A : f32 to vector<256x1xf32>
    %add3A_6 = arith.addf %div3A_4, %add3A_5 : vector<256x1xf32>
    %rsqrt3A = math.rsqrt %add3A_6 : vector<256x1xf32>
    %mul3A_7 = vector.broadcast %rsqrt3A : vector<256x1xf32> to vector<256x768xf32>
    %mul3A_8 = arith.mulf %get3A_1, %mul3A_7 : vector<256x768xf32>
    %get3A_9 = arith.constant 0 : index
    %get3A_10 = arith.constant 0 : index
    %get3A_11 = vector.load %arg4[%get3A_9, %get3A_10] : memref<1x768xf32, #tpu.memory_space<vmem>>, vector<1x768xf32>
    %mul3A_12 = vector.broadcast %get3A_11 : vector<1x768xf32> to vector<256x768xf32>
    %mul3A_13 = arith.mulf %mul3A_8, %mul3A_12 : vector<256x768xf32>
    %convert_element_type3A = arith.truncf %mul3A_13 : vector<256x768xf32> to vector<256x768xbf16>
    %get3A_14 = arith.constant 0 : index
    %get3A_15 = arith.constant 0 : index
    %get3A_16 = vector.load %arg5[%get3A_14, %get3A_15] : memref<768x768xbf16, #tpu.memory_space<vmem>>, vector<768x768xbf16>
    %dot_general3A = arith.constant dense<0.000000e+00> : vector<256x768xf32>
    %dot_general3A_17 = tpu.matmul %convert_element_type3A, %get3A_16, %dot_general3A {dimension_numbers = #tpu.dot_dimension_numbers<[1], [0], [0], [1], [0, 0, 1, 1], [], []>, transpose_lhs_hint = false} : vector<256x768xbf16>, vector<768x768xbf16>, vector<256x768xf32> -> vector<256x768xf32>
    %get3A_18 = arith.constant 0 : index
    %get3A_19 = arith.constant 0 : index
    %get3A_20 = vector.load %arg6[%get3A_18, %get3A_19] : memref<768x256xbf16, #tpu.memory_space<vmem>>, vector<768x256xbf16>
    %dot_general3A_21 = arith.constant dense<0.000000e+00> : vector<256x256xf32>
    %dot_general3A_22 = tpu.matmul %convert_element_type3A, %get3A_20, %dot_general3A_21 {dimension_numbers = #tpu.dot_dimension_numbers<[1], [0], [0], [1], [0, 0, 1, 1], [], []>, transpose_lhs_hint = false} : vector<256x768xbf16>, vector<768x256xbf16>, vector<256x256xf32> -> vector<256x256xf32>
    %get3A_23 = arith.constant 0 : index
    %get3A_24 = arith.constant 0 : index
    %get3A_25 = vector.load %arg7[%get3A_23, %get3A_24] : memref<768x256xbf16, #tpu.memory_space<vmem>>, vector<768x256xbf16>
    %dot_general3A_26 = arith.constant dense<0.000000e+00> : vector<256x256xf32>
    %dot_general3A_27 = tpu.matmul %convert_element_type3A, %get3A_25, %dot_general3A_26 {dimension_numbers = #tpu.dot_dimension_numbers<[1], [0], [0], [1], [0, 0, 1, 1], [], []>, transpose_lhs_hint = false} : vector<256x768xbf16>, vector<768x256xbf16>, vector<256x256xf32> -> vector<256x256xf32>
    %get3A_28 = arith.constant 0 : index
    %get3A_29 = arith.constant 0 : index
    %get3A_30 = vector.load %arg2[%get3A_28, %get3A_29] : memref<256x32xf32, #tpu.memory_space<vmem>>, vector<256x32xf32>
    %slice3A = vector.extract_strided_slice %get3A_30 {offsets = [0, 0], sizes = [256, 16], strides = [1, 1]} : vector<256x32xf32> to vector<256x16xf32>
    %get3A_31 = arith.constant 0 : index
    %get3A_32 = arith.constant 0 : index
    %get3A_33 = vector.load %arg3[%get3A_31, %get3A_32] : memref<256x32xf32, #tpu.memory_space<vmem>>, vector<256x32xf32>
    %slice3A_34 = vector.extract_strided_slice %get3A_33 {offsets = [0, 0], sizes = [256, 16], strides = [1, 1]} : vector<256x32xf32> to vector<256x16xf32>
    %slice3A_35 = vector.extract_strided_slice %dot_general3A_17 {offsets = [0, 0], sizes = [256, 16], strides = [1, 1]} : vector<256x768xf32> to vector<256x16xf32>
    %slice3A_36 = vector.extract_strided_slice %dot_general3A_17 {offsets = [0, 16], sizes = [256, 16], strides = [1, 1]} : vector<256x768xf32> to vector<256x16xf32>
    %mul3A_37 = arith.mulf %slice3A_35, %slice3A : vector<256x16xf32>
    %mul3A_38 = arith.mulf %slice3A_36, %slice3A_34 : vector<256x16xf32>
    %sub3A = arith.subf %mul3A_37, %mul3A_38 : vector<256x16xf32>
    %mul3A_39 = arith.mulf %slice3A_36, %slice3A : vector<256x16xf32>
    %mul3A_40 = arith.mulf %slice3A_35, %slice3A_34 : vector<256x16xf32>
    %add3A_41 = arith.addf %mul3A_39, %mul3A_40 : vector<256x16xf32>
    %slice3A_42 = vector.extract_strided_slice %dot_general3A_17 {offsets = [0, 32], sizes = [256, 32], strides = [1, 1]} : vector<256x768xf32> to vector<256x32xf32>
    %slice3A_43 = vector.extract_strided_slice %dot_general3A_17 {offsets = [0, 64], sizes = [256, 16], strides = [1, 1]} : vector<256x768xf32> to vector<256x16xf32>
    %slice3A_44 = vector.extract_strided_slice %dot_general3A_17 {offsets = [0, 80], sizes = [256, 16], strides = [1, 1]} : vector<256x768xf32> to vector<256x16xf32>
    %mul3A_45 = arith.mulf %slice3A_43, %slice3A : vector<256x16xf32>
    %mul3A_46 = arith.mulf %slice3A_44, %slice3A_34 : vector<256x16xf32>
    %sub3A_47 = arith.subf %mul3A_45, %mul3A_46 : vector<256x16xf32>
    %mul3A_48 = arith.mulf %slice3A_44, %slice3A : vector<256x16xf32>
    %mul3A_49 = arith.mulf %slice3A_43, %slice3A_34 : vector<256x16xf32>
    %add3A_50 = arith.addf %mul3A_48, %mul3A_49 : vector<256x16xf32>
    %slice3A_51 = vector.extract_strided_slice %dot_general3A_17 {offsets = [0, 96], sizes = [256, 32], strides = [1, 1]} : vector<256x768xf32> to vector<256x32xf32>
    %slice3A_52 = vector.extract_strided_slice %dot_general3A_17 {offsets = [0, 128], sizes = [256, 16], strides = [1, 1]} : vector<256x768xf32> to vector<256x16xf32>
    %slice3A_53 = vector.extract_strided_slice %dot_general3A_17 {offsets = [0, 144], sizes = [256, 16], strides = [1, 1]} : vector<256x768xf32> to vector<256x16xf32>
    %mul3A_54 = arith.mulf %slice3A_52, %slice3A : vector<256x16xf32>
    %mul3A_55 = arith.mulf %slice3A_53, %slice3A_34 : vector<256x16xf32>
    %sub3A_56 = arith.subf %mul3A_54, %mul3A_55 : vector<256x16xf32>
    %mul3A_57 = arith.mulf %slice3A_53, %slice3A : vector<256x16xf32>
    %mul3A_58 = arith.mulf %slice3A_52, %slice3A_34 : vector<256x16xf32>
    %add3A_59 = arith.addf %mul3A_57, %mul3A_58 : vector<256x16xf32>
    %slice3A_60 = vector.extract_strided_slice %dot_general3A_17 {offsets = [0, 160], sizes = [256, 32], strides = [1, 1]} : vector<256x768xf32> to vector<256x32xf32>
    %slice3A_61 = vector.extract_strided_slice %dot_general3A_17 {offsets = [0, 192], sizes = [256, 16], strides = [1, 1]} : vector<256x768xf32> to vector<256x16xf32>
    %slice3A_62 = vector.extract_strided_slice %dot_general3A_17 {offsets = [0, 208], sizes = [256, 16], strides = [1, 1]} : vector<256x768xf32> to vector<256x16xf32>
    %mul3A_63 = arith.mulf %slice3A_61, %slice3A : vector<256x16xf32>
    %mul3A_64 = arith.mulf %slice3A_62, %slice3A_34 : vector<256x16xf32>
    %sub3A_65 = arith.subf %mul3A_63, %mul3A_64 : vector<256x16xf32>
    %mul3A_66 = arith.mulf %slice3A_62, %slice3A : vector<256x16xf32>
    %mul3A_67 = arith.mulf %slice3A_61, %slice3A_34 : vector<256x16xf32>
    %add3A_68 = arith.addf %mul3A_66, %mul3A_67 : vector<256x16xf32>
    %slice3A_69 = vector.extract_strided_slice %dot_general3A_17 {offsets = [0, 224], sizes = [256, 32], strides = [1, 1]} : vector<256x768xf32> to vector<256x32xf32>
    %slice3A_70 = vector.extract_strided_slice %dot_general3A_17 {offsets = [0, 256], sizes = [256, 16], strides = [1, 1]} : vector<256x768xf32> to vector<256x16xf32>
    %slice3A_71 = vector.extract_strided_slice %dot_general3A_17 {offsets = [0, 272], sizes = [256, 16], strides = [1, 1]} : vector<256x768xf32> to vector<256x16xf32>
    %mul3A_72 = arith.mulf %slice3A_70, %slice3A : vector<256x16xf32>
    %mul3A_73 = arith.mulf %slice3A_71, %slice3A_34 : vector<256x16xf32>
    %sub3A_74 = arith.subf %mul3A_72, %mul3A_73 : vector<256x16xf32>
    %mul3A_75 = arith.mulf %slice3A_71, %slice3A : vector<256x16xf32>
    %mul3A_76 = arith.mulf %slice3A_70, %slice3A_34 : vector<256x16xf32>
    %add3A_77 = arith.addf %mul3A_75, %mul3A_76 : vector<256x16xf32>
    %slice3A_78 = vector.extract_strided_slice %dot_general3A_17 {offsets = [0, 288], sizes = [256, 32], strides = [1, 1]} : vector<256x768xf32> to vector<256x32xf32>
    %slice3A_79 = vector.extract_strided_slice %dot_general3A_17 {offsets = [0, 320], sizes = [256, 16], strides = [1, 1]} : vector<256x768xf32> to vector<256x16xf32>
    %slice3A_80 = vector.extract_strided_slice %dot_general3A_17 {offsets = [0, 336], sizes = [256, 16], strides = [1, 1]} : vector<256x768xf32> to vector<256x16xf32>
    %mul3A_81 = arith.mulf %slice3A_79, %slice3A : vector<256x16xf32>
    %mul3A_82 = arith.mulf %slice3A_80, %slice3A_34 : vector<256x16xf32>
    %sub3A_83 = arith.subf %mul3A_81, %mul3A_82 : vector<256x16xf32>
    %mul3A_84 = arith.mulf %slice3A_80, %slice3A : vector<256x16xf32>
    %mul3A_85 = arith.mulf %slice3A_79, %slice3A_34 : vector<256x16xf32>
    %add3A_86 = arith.addf %mul3A_84, %mul3A_85 : vector<256x16xf32>
    %slice3A_87 = vector.extract_strided_slice %dot_general3A_17 {offsets = [0, 352], sizes = [256, 32], strides = [1, 1]} : vector<256x768xf32> to vector<256x32xf32>
    %slice3A_88 = vector.extract_strided_slice %dot_general3A_17 {offsets = [0, 384], sizes = [256, 16], strides = [1, 1]} : vector<256x768xf32> to vector<256x16xf32>
    %slice3A_89 = vector.extract_strided_slice %dot_general3A_17 {offsets = [0, 400], sizes = [256, 16], strides = [1, 1]} : vector<256x768xf32> to vector<256x16xf32>
    %mul3A_90 = arith.mulf %slice3A_88, %slice3A : vector<256x16xf32>
    %mul3A_91 = arith.mulf %slice3A_89, %slice3A_34 : vector<256x16xf32>
    %sub3A_92 = arith.subf %mul3A_90, %mul3A_91 : vector<256x16xf32>
    %mul3A_93 = arith.mulf %slice3A_89, %slice3A : vector<256x16xf32>
    %mul3A_94 = arith.mulf %slice3A_88, %slice3A_34 : vector<256x16xf32>
    %add3A_95 = arith.addf %mul3A_93, %mul3A_94 : vector<256x16xf32>
    %slice3A_96 = vector.extract_strided_slice %dot_general3A_17 {offsets = [0, 416], sizes = [256, 32], strides = [1, 1]} : vector<256x768xf32> to vector<256x32xf32>
    %slice3A_97 = vector.extract_strided_slice %dot_general3A_17 {offsets = [0, 448], sizes = [256, 16], strides = [1, 1]} : vector<256x768xf32> to vector<256x16xf32>
    %slice3A_98 = vector.extract_strided_slice %dot_general3A_17 {offsets = [0, 464], sizes = [256, 16], strides = [1, 1]} : vector<256x768xf32> to vector<256x16xf32>
    %mul3A_99 = arith.mulf %slice3A_97, %slice3A : vector<256x16xf32>
    %mul3A_100 = arith.mulf %slice3A_98, %slice3A_34 : vector<256x16xf32>
    %sub3A_101 = arith.subf %mul3A_99, %mul3A_100 : vector<256x16xf32>
    %mul3A_102 = arith.mulf %slice3A_98, %slice3A : vector<256x16xf32>
    %mul3A_103 = arith.mulf %slice3A_97, %slice3A_34 : vector<256x16xf32>
    %add3A_104 = arith.addf %mul3A_102, %mul3A_103 : vector<256x16xf32>
    %slice3A_105 = vector.extract_strided_slice %dot_general3A_17 {offsets = [0, 480], sizes = [256, 32], strides = [1, 1]} : vector<256x768xf32> to vector<256x32xf32>
    %slice3A_106 = vector.extract_strided_slice %dot_general3A_17 {offsets = [0, 512], sizes = [256, 16], strides = [1, 1]} : vector<256x768xf32> to vector<256x16xf32>
    %slice3A_107 = vector.extract_strided_slice %dot_general3A_17 {offsets = [0, 528], sizes = [256, 16], strides = [1, 1]} : vector<256x768xf32> to vector<256x16xf32>
    %mul3A_108 = arith.mulf %slice3A_106, %slice3A : vector<256x16xf32>
    %mul3A_109 = arith.mulf %slice3A_107, %slice3A_34 : vector<256x16xf32>
    %sub3A_110 = arith.subf %mul3A_108, %mul3A_109 : vector<256x16xf32>
    %mul3A_111 = arith.mulf %slice3A_107, %slice3A : vector<256x16xf32>
    %mul3A_112 = arith.mulf %slice3A_106, %slice3A_34 : vector<256x16xf32>
    %add3A_113 = arith.addf %mul3A_111, %mul3A_112 : vector<256x16xf32>
    %slice3A_114 = vector.extract_strided_slice %dot_general3A_17 {offsets = [0, 544], sizes = [256, 32], strides = [1, 1]} : vector<256x768xf32> to vector<256x32xf32>
    %slice3A_115 = vector.extract_strided_slice %dot_general3A_17 {offsets = [0, 576], sizes = [256, 16], strides = [1, 1]} : vector<256x768xf32> to vector<256x16xf32>
    %slice3A_116 = vector.extract_strided_slice %dot_general3A_17 {offsets = [0, 592], sizes = [256, 16], strides = [1, 1]} : vector<256x768xf32> to vector<256x16xf32>
    %mul3A_117 = arith.mulf %slice3A_115, %slice3A : vector<256x16xf32>
    %mul3A_118 = arith.mulf %slice3A_116, %slice3A_34 : vector<256x16xf32>
    %sub3A_119 = arith.subf %mul3A_117, %mul3A_118 : vector<256x16xf32>
    %mul3A_120 = arith.mulf %slice3A_116, %slice3A : vector<256x16xf32>
    %mul3A_121 = arith.mulf %slice3A_115, %slice3A_34 : vector<256x16xf32>
    %add3A_122 = arith.addf %mul3A_120, %mul3A_121 : vector<256x16xf32>
    %slice3A_123 = vector.extract_strided_slice %dot_general3A_17 {offsets = [0, 608], sizes = [256, 32], strides = [1, 1]} : vector<256x768xf32> to vector<256x32xf32>
    %slice3A_124 = vector.extract_strided_slice %dot_general3A_17 {offsets = [0, 640], sizes = [256, 16], strides = [1, 1]} : vector<256x768xf32> to vector<256x16xf32>
    %slice3A_125 = vector.extract_strided_slice %dot_general3A_17 {offsets = [0, 656], sizes = [256, 16], strides = [1, 1]} : vector<256x768xf32> to vector<256x16xf32>
    %mul3A_126 = arith.mulf %slice3A_124, %slice3A : vector<256x16xf32>
    %mul3A_127 = arith.mulf %slice3A_125, %slice3A_34 : vector<256x16xf32>
    %sub3A_128 = arith.subf %mul3A_126, %mul3A_127 : vector<256x16xf32>
    %mul3A_129 = arith.mulf %slice3A_125, %slice3A : vector<256x16xf32>
    %mul3A_130 = arith.mulf %slice3A_124, %slice3A_34 : vector<256x16xf32>
    %add3A_131 = arith.addf %mul3A_129, %mul3A_130 : vector<256x16xf32>
    %slice3A_132 = vector.extract_strided_slice %dot_general3A_17 {offsets = [0, 672], sizes = [256, 32], strides = [1, 1]} : vector<256x768xf32> to vector<256x32xf32>
    %slice3A_133 = vector.extract_strided_slice %dot_general3A_17 {offsets = [0, 704], sizes = [256, 16], strides = [1, 1]} : vector<256x768xf32> to vector<256x16xf32>
    %slice3A_134 = vector.extract_strided_slice %dot_general3A_17 {offsets = [0, 720], sizes = [256, 16], strides = [1, 1]} : vector<256x768xf32> to vector<256x16xf32>
    %mul3A_135 = arith.mulf %slice3A_133, %slice3A : vector<256x16xf32>
    %mul3A_136 = arith.mulf %slice3A_134, %slice3A_34 : vector<256x16xf32>
    %sub3A_137 = arith.subf %mul3A_135, %mul3A_136 : vector<256x16xf32>
    %mul3A_138 = arith.mulf %slice3A_134, %slice3A : vector<256x16xf32>
    %mul3A_139 = arith.mulf %slice3A_133, %slice3A_34 : vector<256x16xf32>
    %add3A_140 = arith.addf %mul3A_138, %mul3A_139 : vector<256x16xf32>
    %slice3A_141 = vector.extract_strided_slice %dot_general3A_17 {offsets = [0, 736], sizes = [256, 32], strides = [1, 1]} : vector<256x768xf32> to vector<256x32xf32>
    %concatenate3A = tpu.concatenate %sub3A, %add3A_41, %slice3A_42, %sub3A_47, %add3A_50, %slice3A_51, %sub3A_56, %add3A_59, %slice3A_60, %sub3A_65, %add3A_68, %slice3A_69, %sub3A_74, %add3A_77, %slice3A_78, %sub3A_83, %add3A_86, %slice3A_87, %sub3A_92, %add3A_95, %slice3A_96, %sub3A_101, %add3A_104, %slice3A_105, %sub3A_110, %add3A_113, %slice3A_114, %sub3A_119, %add3A_122, %slice3A_123, %sub3A_128, %add3A_131, %slice3A_132, %sub3A_137, %add3A_140, %slice3A_141 in 1 : vector<256x16xf32>, vector<256x16xf32>, vector<256x32xf32>, vector<256x16xf32>, vector<256x16xf32>, vector<256x32xf32>, vector<256x16xf32>, vector<256x16xf32>, vector<256x32xf32>, vector<256x16xf32>, vector<256x16xf32>, vector<256x32xf32>, vector<256x16xf32>, vector<256x16xf32>, vector<256x32xf32>, vector<256x16xf32>, vector<256x16xf32>, vector<256x32xf32>, vector<256x16xf32>, vector<256x16xf32>, vector<256x32xf32>, vector<256x16xf32>, vector<256x16xf32>, vector<256x32xf32>, vector<256x16xf32>, vector<256x16xf32>, vector<256x32xf32>, vector<256x16xf32>, vector<256x16xf32>, vector<256x32xf32>, vector<256x16xf32>, vector<256x16xf32>, vector<256x32xf32>, vector<256x16xf32>, vector<256x16xf32>, vector<256x32xf32> -> vector<256x768xf32>
    %convert_element_type3A_142 = arith.truncf %concatenate3A : vector<256x768xf32> to vector<256x768xbf16>
    %swap3A = arith.constant 0 : index
    %swap3A_143 = arith.constant 0 : index
    %swap3A_144 = vector.load %arg8[%swap3A, %swap3A_143] : memref<256x768xbf16, #tpu.memory_space<vmem>>, vector<256x768xbf16>
    tpu.vector_store %arg8[%swap3A, %swap3A_143], %convert_element_type3A_142 {strides = array<i32>} : memref<256x768xbf16, #tpu.memory_space<vmem>>, vector<256x768xbf16>,
    %slice3A_145 = vector.extract_strided_slice %dot_general3A_22 {offsets = [0, 0], sizes = [256, 16], strides = [1, 1]} : vector<256x256xf32> to vector<256x16xf32>
    %slice3A_146 = vector.extract_strided_slice %dot_general3A_22 {offsets = [0, 16], sizes = [256, 16], strides = [1, 1]} : vector<256x256xf32> to vector<256x16xf32>
    %mul3A_147 = arith.mulf %slice3A_145, %slice3A : vector<256x16xf32>
    %mul3A_148 = arith.mulf %slice3A_146, %slice3A_34 : vector<256x16xf32>
    %sub3A_149 = arith.subf %mul3A_147, %mul3A_148 : vector<256x16xf32>
    %mul3A_150 = arith.mulf %slice3A_146, %slice3A : vector<256x16xf32>
    %mul3A_151 = arith.mulf %slice3A_145, %slice3A_34 : vector<256x16xf32>
    %add3A_152 = arith.addf %mul3A_150, %mul3A_151 : vector<256x16xf32>
    %slice3A_153 = vector.extract_strided_slice %dot_general3A_22 {offsets = [0, 32], sizes = [256, 32], strides = [1, 1]} : vector<256x256xf32> to vector<256x32xf32>
    %slice3A_154 = vector.extract_strided_slice %dot_general3A_22 {offsets = [0, 64], sizes = [256, 16], strides = [1, 1]} : vector<256x256xf32> to vector<256x16xf32>
    %slice3A_155 = vector.extract_strided_slice %dot_general3A_22 {offsets = [0, 80], sizes = [256, 16], strides = [1, 1]} : vector<256x256xf32> to vector<256x16xf32>
    %mul3A_156 = arith.mulf %slice3A_154, %slice3A : vector<256x16xf32>
    %mul3A_157 = arith.mulf %slice3A_155, %slice3A_34 : vector<256x16xf32>
    %sub3A_158 = arith.subf %mul3A_156, %mul3A_157 : vector<256x16xf32>
    %mul3A_159 = arith.mulf %slice3A_155, %slice3A : vector<256x16xf32>
    %mul3A_160 = arith.mulf %slice3A_154, %slice3A_34 : vector<256x16xf32>
    %add3A_161 = arith.addf %mul3A_159, %mul3A_160 : vector<256x16xf32>
    %slice3A_162 = vector.extract_strided_slice %dot_general3A_22 {offsets = [0, 96], sizes = [256, 32], strides = [1, 1]} : vector<256x256xf32> to vector<256x32xf32>
    %slice3A_163 = vector.extract_strided_slice %dot_general3A_22 {offsets = [0, 128], sizes = [256, 16], strides = [1, 1]} : vector<256x256xf32> to vector<256x16xf32>
    %slice3A_164 = vector.extract_strided_slice %dot_general3A_22 {offsets = [0, 144], sizes = [256, 16], strides = [1, 1]} : vector<256x256xf32> to vector<256x16xf32>
    %mul3A_165 = arith.mulf %slice3A_163, %slice3A : vector<256x16xf32>
    %mul3A_166 = arith.mulf %slice3A_164, %slice3A_34 : vector<256x16xf32>
    %sub3A_167 = arith.subf %mul3A_165, %mul3A_166 : vector<256x16xf32>
    %mul3A_168 = arith.mulf %slice3A_164, %slice3A : vector<256x16xf32>
    %mul3A_169 = arith.mulf %slice3A_163, %slice3A_34 : vector<256x16xf32>
    %add3A_170 = arith.addf %mul3A_168, %mul3A_169 : vector<256x16xf32>
    %slice3A_171 = vector.extract_strided_slice %dot_general3A_22 {offsets = [0, 160], sizes = [256, 32], strides = [1, 1]} : vector<256x256xf32> to vector<256x32xf32>
    %slice3A_172 = vector.extract_strided_slice %dot_general3A_22 {offsets = [0, 192], sizes = [256, 16], strides = [1, 1]} : vector<256x256xf32> to vector<256x16xf32>
    %slice3A_173 = vector.extract_strided_slice %dot_general3A_22 {offsets = [0, 208], sizes = [256, 16], strides = [1, 1]} : vector<256x256xf32> to vector<256x16xf32>
    %mul3A_174 = arith.mulf %slice3A_172, %slice3A : vector<256x16xf32>
    %mul3A_175 = arith.mulf %slice3A_173, %slice3A_34 : vector<256x16xf32>
    %sub3A_176 = arith.subf %mul3A_174, %mul3A_175 : vector<256x16xf32>
    %mul3A_177 = arith.mulf %slice3A_173, %slice3A : vector<256x16xf32>
    %mul3A_178 = arith.mulf %slice3A_172, %slice3A_34 : vector<256x16xf32>
    %add3A_179 = arith.addf %mul3A_177, %mul3A_178 : vector<256x16xf32>
    %slice3A_180 = vector.extract_strided_slice %dot_general3A_22 {offsets = [0, 224], sizes = [256, 32], strides = [1, 1]} : vector<256x256xf32> to vector<256x32xf32>
    %concatenate3A_181 = tpu.concatenate %sub3A_149, %add3A_152, %slice3A_153, %sub3A_158, %add3A_161, %slice3A_162, %sub3A_167, %add3A_170, %slice3A_171, %sub3A_176, %add3A_179, %slice3A_180 in 1 : vector<256x16xf32>, vector<256x16xf32>, vector<256x32xf32>, vector<256x16xf32>, vector<256x16xf32>, vector<256x32xf32>, vector<256x16xf32>, vector<256x16xf32>, vector<256x32xf32>, vector<256x16xf32>, vector<256x16xf32>, vector<256x32xf32> -> vector<256x256xf32>
    %convert_element_type3A_182 = arith.truncf %concatenate3A_181 : vector<256x256xf32> to vector<256x256xbf16>
    %swap3A_183 = arith.constant 0 : index
    %swap3A_184 = arith.constant 0 : index
    %swap3A_185 = vector.load %arg9[%swap3A_183, %swap3A_184] : memref<256x256xbf16, #tpu.memory_space<vmem>>, vector<256x256xbf16>
    tpu.vector_store %arg9[%swap3A_183, %swap3A_184], %convert_element_type3A_182 {strides = array<i32>} : memref<256x256xbf16, #tpu.memory_space<vmem>>, vector<256x256xbf16>,
    %convert_element_type3A_186 = arith.truncf %dot_general3A_27 : vector<256x256xf32> to vector<256x256xbf16>
    %swap3A_187 = arith.constant 0 : index
    %swap3A_188 = arith.constant 0 : index
    %swap3A_189 = vector.load %arg10[%swap3A_187, %swap3A_188] : memref<256x256xbf16, #tpu.memory_space<vmem>>, vector<256x256xbf16>
    tpu.vector_store %arg10[%swap3A_187, %swap3A_188], %convert_element_type3A_186 {strides = array<i32>} : memref<256x256xbf16, #tpu.memory_space<vmem>>, vector<256x256xbf16>,
    return
  }
  func.func @transform_0(%arg0: i32) -> (i32, i32) {
    %c0_i32 = arith.constant 0 : i32
    %c0_i32_0 = arith.constant 0 : i32
    return %arg0, %c0_i32 : i32, i32
  }
  func.func @transform_1(%arg0: i32) -> (i32, i32) {
    %c0_i32 = arith.constant 0 : i32
    %c0_i32_0 = arith.constant 0 : i32
    return %arg0, %c0_i32 : i32, i32
  }
  func.func @transform_2(%arg0: i32) -> (i32, i32) {
    %c0_i32 = arith.constant 0 : i32
    %c0_i32_0 = arith.constant 0 : i32
    return %arg0, %c0_i32 : i32, i32
  }
  func.func @transform_3(%arg0: i32) -> (i32, i32) {
    %c0_i32 = arith.constant 0 : i32
    %c0_i32_0 = arith.constant 0 : i32
    %c0_i32_1 = arith.constant 0 : i32
    return %c0_i32, %c0_i32_0 : i32, i32
  }
  func.func @transform_4(%arg0: i32) -> (i32, i32) {
    %c0_i32 = arith.constant 0 : i32
    %c0_i32_0 = arith.constant 0 : i32
    %c0_i32_1 = arith.constant 0 : i32
    return %c0_i32, %c0_i32_0 : i32, i32
  }
  func.func @transform_5(%arg0: i32) -> (i32, i32) {
    %c0_i32 = arith.constant 0 : i32
    %c0_i32_0 = arith.constant 0 : i32
    %c0_i32_1 = arith.constant 0 : i32
    return %c0_i32, %c0_i32_0 : i32, i32
  }
  func.func @transform_6(%arg0: i32) -> (i32, i32) {
    %c0_i32 = arith.constant 0 : i32
    %c0_i32_0 = arith.constant 0 : i32
    %c0_i32_1 = arith.constant 0 : i32
    return %c0_i32, %c0_i32_0 : i32, i32
  }
  func.func @transform_7(%arg0: i32) -> (i32, i32) {
    %c0_i32 = arith.constant 0 : i32
    %c0_i32_0 = arith.constant 0 : i32
    return %arg0, %c0_i32 : i32, i32
  }
  func.func @transform_8(%arg0: i32) -> (i32, i32) {
    %c0_i32 = arith.constant 0 : i32
    %c0_i32_0 = arith.constant 0 : i32
    return %arg0, %c0_i32 : i32, i32
  }
  func.func @transform_9(%arg0: i32) -> (i32, i32) {
    %c0_i32 = arith.constant 0 : i32
    %c0_i32_0 = arith.constant 0 : i32
    return %arg0, %c0_i32 : i32, i32
  }
}

module attributes {stable_mosaic.version = 14 : i64} {
  func.func @_attn_kernel(%arg0: i32, %arg1: i32, %arg2: memref<1x512x64xbf16, #tpu.memory_space<vmem>>, %arg3: memref<1x2048x64xbf16, #tpu.memory_space<vmem>>, %arg4: memref<1x64x2048xbf16, #tpu.memory_space<vmem>>, %arg5: memref<1x64x512xf32, #tpu.memory_space<vmem>>, %arg6: memref<2048x512xf32, #tpu.memory_space<vmem>>) attributes {dimension_semantics = [#tpu.dimension_semantics<arbitrary>, #tpu.dimension_semantics<arbitrary>], iteration_bounds = array<i64: 12, 4>, scalar_prefetch = 0 : i64, scratch_operands = 1 : i64, tpu.core_type = #tpu.core_type<tc>, window_params = [{transform_indices = @transform_0, window_bounds = array<i64: 1, 512, 64>}, {transform_indices = @transform_1, window_bounds = array<i64: 1, 2048, 64>}, {transform_indices = @transform_2, window_bounds = array<i64: 1, 64, 2048>}, {transform_indices = @transform_3, window_bounds = array<i64: 1, 64, 512>}]} {
    %get3A = arith.constant 0 : index
    %get3A_0 = arith.constant 0 : index
    %get3A_1 = arith.constant 0 : index
    %get3A_2 = vector.load %arg2[%get3A, %get3A_0, %get3A_1] : memref<1x512x64xbf16, #tpu.memory_space<vmem>>, vector<1x512x64xbf16>
    %get3A_3 = vector.shape_cast %get3A_2 : vector<1x512x64xbf16> to vector<512x64xbf16>
    %mul3A = arith.constant 512 : i32
    %mul3A_4 = arith.muli %arg1, %mul3A : i32
    %iota3A = tpu.iota {dimensions = array<i32: 1>} : vector<512x512xi32>
    %add3A = vector.broadcast %mul3A_4 : i32 to vector<512x512xi32>
    %add3A_5 = arith.addi %add3A, %iota3A : vector<512x512xi32>
    %add3A_6 = arith.constant 1 : i32
    %add3A_7 = arith.addi %arg1, %add3A_6 : i32
    %mul3A_8 = arith.constant 1 : i32
    %mul3A_9 = arith.muli %add3A_7, %mul3A_8 : i32
    %broadcast_in_dim3A = arith.constant -1.000000e+30 : f32
    %broadcast_in_dim3A_10 = vector.broadcast %broadcast_in_dim3A : f32 to vector<1x512xf32>
    %while3A = arith.constant 0 : i32
    %while3A_11 = arith.subi %mul3A_9, %while3A : i32
    %while3A_12 = arith.addi %while3A, %while3A_11 : i32
    %while3A_13 = arith.constant 1 : i32
    %while3A_14 = arith.divsi %while3A_11, %while3A_13 : i32
    %while3A_15 = arith.muli %while3A_14, %while3A_13 : i32
    %while3A_16 = arith.addi %while3A, %while3A_15 : i32
    %while3A_17 = arith.constant 1 : i32
    %while3A_18 = scf.for %while3A_42 = %while3A to %while3A_16 step %while3A_17 iter_args(%while3A_43 = %broadcast_in_dim3A_10) -> (vector<1x512xf32>)  : i32 {
      %mul3A_44 = arith.constant 512 : i32
      %mul3A_45 = arith.muli %while3A_42, %mul3A_44 : i32
      %get3A_46 = arith.constant 0 : index
      %get3A_47 = arith.index_cast %mul3A_45 : i32 to index
      %get3A_48 = arith.constant 0 : index
      %get3A_49 = vector.load %arg3[%get3A_46, %get3A_47, %get3A_48] : memref<1x2048x64xbf16, #tpu.memory_space<vmem>>, vector<1x512x64xbf16>
      %get3A_50 = vector.shape_cast %get3A_49 : vector<1x512x64xbf16> to vector<512x64xbf16>
      %dot_general3A = arith.constant dense<0.000000e+00> : vector<512x512xf32>
      %dot_general3A_51 = tpu.matmul %get3A_50, %get3A_3, %dot_general3A {dimension_numbers = #tpu.dot_dimension_numbers<[1], [1], [0], [0], [0, 0, 1, 0], [], []>, transpose_lhs_hint = false} : vector<512x64xbf16>, vector<512x64xbf16>, vector<512x512xf32> -> vector<512x512xf32>
      %mul3A_52 = arith.constant 1.250000e-01 : f32
      %mul3A_53 = vector.broadcast %mul3A_52 : f32 to vector<512x512xf32>
      %mul3A_54 = arith.mulf %dot_general3A_51, %mul3A_53 : vector<512x512xf32>
      %mul3A_55 = arith.constant 512 : i32
      %mul3A_56 = arith.muli %while3A_42, %mul3A_55 : i32
      %iota3A_57 = tpu.iota {dimensions = array<i32: 0>} : vector<512x512xi32>
      %add3A_58 = vector.broadcast %mul3A_56 : i32 to vector<512x512xi32>
      %add3A_59 = arith.addi %add3A_58, %iota3A_57 : vector<512x512xi32>
      %gt3A = arith.cmpi sgt, %add3A_59, %add3A_5 : vector<512x512xi32>
      %jit3A = arith.constant -1.000000e+30 : f32
      %broadcast_in_dim3A_60 = vector.broadcast %jit3A : f32 to vector<512x512xf32>
      %select_n3A = arith.select %gt3A, %broadcast_in_dim3A_60, %mul3A_54 : vector<512x512xi1>, vector<512x512xf32>
      %mul3A_61 = arith.constant 512 : i32
      %mul3A_62 = arith.muli %while3A_42, %mul3A_61 : i32
      %swap3A_63 = arith.index_cast %mul3A_62 : i32 to index
      %swap3A_64 = arith.constant 0 : index
      %swap3A_65 = vector.load %arg6[%swap3A_63, %swap3A_64] : memref<2048x512xf32, #tpu.memory_space<vmem>>, vector<512x512xf32>
      tpu.vector_store %arg6[%swap3A_63, %swap3A_64], %select_n3A {strides = array<i32>} : memref<2048x512xf32, #tpu.memory_space<vmem>>, vector<512x512xf32>,
      %reduce_max3A = arith.constant dense<0xFF800000> : vector<512xf32>
      %reduce_max3A_66 = vector.multi_reduction <maximumf>, %select_n3A, %reduce_max3A [0] : vector<512x512xf32> to vector<512xf32>
      %broadcast_in_dim3A_67 = vector.shape_cast %reduce_max3A_66 : vector<512xf32> to vector<1x512xf32>
      %max3A = arith.maximumf %while3A_43, %broadcast_in_dim3A_67 : vector<1x512xf32>
      scf.yield %max3A : vector<1x512xf32>
    }
    %while3A_19 = arith.constant 1 : i32
    %while3A_20 = scf.for %while3A_42 = %while3A_16 to %while3A_12 step %while3A_19 iter_args(%while3A_43 = %while3A_18) -> (vector<1x512xf32>)  : i32 {
      %mul3A_44 = arith.constant 512 : i32
      %mul3A_45 = arith.muli %while3A_42, %mul3A_44 : i32
      %get3A_46 = arith.constant 0 : index
      %get3A_47 = arith.index_cast %mul3A_45 : i32 to index
      %get3A_48 = arith.constant 0 : index
      %get3A_49 = vector.load %arg3[%get3A_46, %get3A_47, %get3A_48] : memref<1x2048x64xbf16, #tpu.memory_space<vmem>>, vector<1x512x64xbf16>
      %get3A_50 = vector.shape_cast %get3A_49 : vector<1x512x64xbf16> to vector<512x64xbf16>
      %dot_general3A = arith.constant dense<0.000000e+00> : vector<512x512xf32>
      %dot_general3A_51 = tpu.matmul %get3A_50, %get3A_3, %dot_general3A {dimension_numbers = #tpu.dot_dimension_numbers<[1], [1], [0], [0], [0, 0, 1, 0], [], []>, transpose_lhs_hint = false} : vector<512x64xbf16>, vector<512x64xbf16>, vector<512x512xf32> -> vector<512x512xf32>
      %mul3A_52 = arith.constant 1.250000e-01 : f32
      %mul3A_53 = vector.broadcast %mul3A_52 : f32 to vector<512x512xf32>
      %mul3A_54 = arith.mulf %dot_general3A_51, %mul3A_53 : vector<512x512xf32>
      %mul3A_55 = arith.constant 512 : i32
      %mul3A_56 = arith.muli %while3A_42, %mul3A_55 : i32
      %iota3A_57 = tpu.iota {dimensions = array<i32: 0>} : vector<512x512xi32>
      %add3A_58 = vector.broadcast %mul3A_56 : i32 to vector<512x512xi32>
      %add3A_59 = arith.addi %add3A_58, %iota3A_57 : vector<512x512xi32>
      %gt3A = arith.cmpi sgt, %add3A_59, %add3A_5 : vector<512x512xi32>
      %jit3A = arith.constant -1.000000e+30 : f32
      %broadcast_in_dim3A_60 = vector.broadcast %jit3A : f32 to vector<512x512xf32>
      %select_n3A = arith.select %gt3A, %broadcast_in_dim3A_60, %mul3A_54 : vector<512x512xi1>, vector<512x512xf32>
      %mul3A_61 = arith.constant 512 : i32
      %mul3A_62 = arith.muli %while3A_42, %mul3A_61 : i32
      %swap3A_63 = arith.index_cast %mul3A_62 : i32 to index
      %swap3A_64 = arith.constant 0 : index
      %swap3A_65 = vector.load %arg6[%swap3A_63, %swap3A_64] : memref<2048x512xf32, #tpu.memory_space<vmem>>, vector<512x512xf32>
      tpu.vector_store %arg6[%swap3A_63, %swap3A_64], %select_n3A {strides = array<i32>} : memref<2048x512xf32, #tpu.memory_space<vmem>>, vector<512x512xf32>,
      %reduce_max3A = arith.constant dense<0xFF800000> : vector<512xf32>
      %reduce_max3A_66 = vector.multi_reduction <maximumf>, %select_n3A, %reduce_max3A [0] : vector<512x512xf32> to vector<512xf32>
      %broadcast_in_dim3A_67 = vector.shape_cast %reduce_max3A_66 : vector<512xf32> to vector<1x512xf32>
      %max3A = arith.maximumf %while3A_43, %broadcast_in_dim3A_67 : vector<1x512xf32>
      scf.yield %max3A : vector<1x512xf32>
    }
    %broadcast_in_dim3A_21 = arith.constant 0.000000e+00 : f32
    %broadcast_in_dim3A_22 = vector.broadcast %broadcast_in_dim3A_21 : f32 to vector<1x512xf32>
    %broadcast_in_dim3A_23 = arith.constant 0.000000e+00 : f32
    %broadcast_in_dim3A_24 = vector.broadcast %broadcast_in_dim3A_23 : f32 to vector<64x512xf32>
    %while3A_25 = arith.constant 0 : i32
    %while3A_26 = arith.subi %mul3A_9, %while3A_25 : i32
    %while3A_27 = arith.addi %while3A_25, %while3A_26 : i32
    %while3A_28 = arith.constant 1 : i32
    %while3A_29 = arith.divsi %while3A_26, %while3A_28 : i32
    %while3A_30 = arith.muli %while3A_29, %while3A_28 : i32
    %while3A_31 = arith.addi %while3A_25, %while3A_30 : i32
    %while3A_32 = arith.constant 1 : i32
    %while3A_33:2 = scf.for %while3A_42 = %while3A_25 to %while3A_31 step %while3A_32 iter_args(%while3A_43 = %broadcast_in_dim3A_22, %while3A_44 = %broadcast_in_dim3A_24) -> (vector<1x512xf32>, vector<64x512xf32>)  : i32 {
      %mul3A_45 = arith.constant 512 : i32
      %mul3A_46 = arith.muli %while3A_42, %mul3A_45 : i32
      %get3A_47 = arith.index_cast %mul3A_46 : i32 to index
      %get3A_48 = arith.constant 0 : index
      %get3A_49 = vector.load %arg6[%get3A_47, %get3A_48] : memref<2048x512xf32, #tpu.memory_space<vmem>>, vector<512x512xf32>
      %sub3A = vector.broadcast %while3A_20 : vector<1x512xf32> to vector<512x512xf32>
      %sub3A_50 = arith.subf %get3A_49, %sub3A : vector<512x512xf32>
      %exp3A = math.exp %sub3A_50 : vector<512x512xf32>
      %mul3A_51 = arith.constant 512 : i32
      %mul3A_52 = arith.muli %while3A_42, %mul3A_51 : i32
      %get3A_53 = arith.constant 0 : index
      %get3A_54 = arith.constant 0 : index
      %get3A_55 = arith.index_cast %mul3A_52 : i32 to index
      %get3A_56 = vector.load %arg4[%get3A_53, %get3A_54, %get3A_55] : memref<1x64x2048xbf16, #tpu.memory_space<vmem>>, vector<1x64x512xbf16>
      %get3A_57 = vector.shape_cast %get3A_56 : vector<1x64x512xbf16> to vector<64x512xbf16>
      %convert_element_type3A = arith.truncf %exp3A : vector<512x512xf32> to vector<512x512xbf16>
      %dot_general3A = arith.constant dense<0.000000e+00> : vector<64x512xf32>
      %dot_general3A_58 = tpu.matmul %get3A_57, %convert_element_type3A, %dot_general3A {dimension_numbers = #tpu.dot_dimension_numbers<[1], [0], [0], [1], [0, 0, 1, 1], [], []>, transpose_lhs_hint = false} : vector<64x512xbf16>, vector<512x512xbf16>, vector<64x512xf32> -> vector<64x512xf32>
      %add3A_59 = arith.addf %while3A_44, %dot_general3A_58 : vector<64x512xf32>
      %reduce_sum3A = arith.constant dense<0.000000e+00> : vector<512xf32>
      %reduce_sum3A_60 = vector.multi_reduction <add>, %exp3A, %reduce_sum3A [0] : vector<512x512xf32> to vector<512xf32>
      %broadcast_in_dim3A_61 = vector.shape_cast %reduce_sum3A_60 : vector<512xf32> to vector<1x512xf32>
      %add3A_62 = arith.addf %while3A_43, %broadcast_in_dim3A_61 : vector<1x512xf32>
      scf.yield %add3A_62, %add3A_59 : vector<1x512xf32>, vector<64x512xf32>
    }
    %while3A_34 = arith.constant 1 : i32
    %while3A_35:2 = scf.for %while3A_42 = %while3A_31 to %while3A_27 step %while3A_34 iter_args(%while3A_43 = %while3A_33#0, %while3A_44 = %while3A_33#1) -> (vector<1x512xf32>, vector<64x512xf32>)  : i32 {
      %mul3A_45 = arith.constant 512 : i32
      %mul3A_46 = arith.muli %while3A_42, %mul3A_45 : i32
      %get3A_47 = arith.index_cast %mul3A_46 : i32 to index
      %get3A_48 = arith.constant 0 : index
      %get3A_49 = vector.load %arg6[%get3A_47, %get3A_48] : memref<2048x512xf32, #tpu.memory_space<vmem>>, vector<512x512xf32>
      %sub3A = vector.broadcast %while3A_20 : vector<1x512xf32> to vector<512x512xf32>
      %sub3A_50 = arith.subf %get3A_49, %sub3A : vector<512x512xf32>
      %exp3A = math.exp %sub3A_50 : vector<512x512xf32>
      %mul3A_51 = arith.constant 512 : i32
      %mul3A_52 = arith.muli %while3A_42, %mul3A_51 : i32
      %get3A_53 = arith.constant 0 : index
      %get3A_54 = arith.constant 0 : index
      %get3A_55 = arith.index_cast %mul3A_52 : i32 to index
      %get3A_56 = vector.load %arg4[%get3A_53, %get3A_54, %get3A_55] : memref<1x64x2048xbf16, #tpu.memory_space<vmem>>, vector<1x64x512xbf16>
      %get3A_57 = vector.shape_cast %get3A_56 : vector<1x64x512xbf16> to vector<64x512xbf16>
      %convert_element_type3A = arith.truncf %exp3A : vector<512x512xf32> to vector<512x512xbf16>
      %dot_general3A = arith.constant dense<0.000000e+00> : vector<64x512xf32>
      %dot_general3A_58 = tpu.matmul %get3A_57, %convert_element_type3A, %dot_general3A {dimension_numbers = #tpu.dot_dimension_numbers<[1], [0], [0], [1], [0, 0, 1, 1], [], []>, transpose_lhs_hint = false} : vector<64x512xbf16>, vector<512x512xbf16>, vector<64x512xf32> -> vector<64x512xf32>
      %add3A_59 = arith.addf %while3A_44, %dot_general3A_58 : vector<64x512xf32>
      %reduce_sum3A = arith.constant dense<0.000000e+00> : vector<512xf32>
      %reduce_sum3A_60 = vector.multi_reduction <add>, %exp3A, %reduce_sum3A [0] : vector<512x512xf32> to vector<512xf32>
      %broadcast_in_dim3A_61 = vector.shape_cast %reduce_sum3A_60 : vector<512xf32> to vector<1x512xf32>
      %add3A_62 = arith.addf %while3A_43, %broadcast_in_dim3A_61 : vector<1x512xf32>
      scf.yield %add3A_62, %add3A_59 : vector<1x512xf32>, vector<64x512xf32>
    }
    %div3A = vector.broadcast %while3A_35#0 : vector<1x512xf32> to vector<64x512xf32>
    %div3A_36 = arith.divf %while3A_35#1, %div3A : vector<64x512xf32>
    %swap3A = arith.constant 0 : index
    %swap3A_37 = arith.constant 0 : index
    %swap3A_38 = arith.constant 0 : index
    %swap3A_39 = vector.load %arg5[%swap3A, %swap3A_37, %swap3A_38] : memref<1x64x512xf32, #tpu.memory_space<vmem>>, vector<1x64x512xf32>
    %swap3A_40 = vector.shape_cast %swap3A_39 : vector<1x64x512xf32> to vector<64x512xf32>
    %swap3A_41 = vector.shape_cast %div3A_36 : vector<64x512xf32> to vector<1x64x512xf32>
    tpu.vector_store %arg5[%swap3A, %swap3A_37, %swap3A_38], %swap3A_41 {strides = array<i32>} : memref<1x64x512xf32, #tpu.memory_space<vmem>>, vector<1x64x512xf32>,
    return
  }
  func.func @transform_0(%arg0: i32, %arg1: i32) -> (i32, i32, i32) {
    %c0_i32 = arith.constant 0 : i32
    %c0_i32_0 = arith.constant 0 : i32
    return %arg0, %arg1, %c0_i32 : i32, i32, i32
  }
  func.func @transform_1(%arg0: i32, %arg1: i32) -> (i32, i32, i32) {
    %jit3A = arith.constant 3 : i32
    %div3A = arith.divsi %arg0, %jit3A : i32
    %sign3A = arith.constant 0 : i32
    %sign3A_0 = arith.cmpi sgt, %arg0, %sign3A : i32
    %sign3A_1 = arith.extui %sign3A_0 : i1 to i32
    %sign3A_2 = arith.constant 0 : i32
    %sign3A_3 = arith.cmpi slt, %arg0, %sign3A_2 : i32
    %sign3A_4 = arith.extui %sign3A_3 : i1 to i32
    %sign3A_5 = arith.subi %sign3A_1, %sign3A_4 : i32
    %sign3A_6 = arith.constant 0 : i32
    %sign3A_7 = arith.cmpi sgt, %jit3A, %sign3A_6 : i32
    %sign3A_8 = arith.extui %sign3A_7 : i1 to i32
    %sign3A_9 = arith.constant 0 : i32
    %sign3A_10 = arith.cmpi slt, %jit3A, %sign3A_9 : i32
    %sign3A_11 = arith.extui %sign3A_10 : i1 to i32
    %sign3A_12 = arith.subi %sign3A_8, %sign3A_11 : i32
    %ne3A = arith.cmpi ne, %sign3A_5, %sign3A_12 : i32
    %rem3A = arith.remsi %arg0, %jit3A : i32
    %ne3A_13 = arith.constant 0 : i32
    %ne3A_14 = arith.cmpi ne, %rem3A, %ne3A_13 : i32
    %and3A = arith.andi %ne3A, %ne3A_14 : i1
    %sub3A = arith.constant 1 : i32
    %sub3A_15 = arith.subi %div3A, %sub3A : i32
    %select_n3A = arith.select %and3A, %sub3A_15, %div3A : i32
    %c0_i32 = arith.constant 0 : i32
    %c0_i32_16 = arith.constant 0 : i32
    %c0_i32_17 = arith.constant 0 : i32
    return %select_n3A, %c0_i32, %c0_i32_16 : i32, i32, i32
  }
  func.func @transform_2(%arg0: i32, %arg1: i32) -> (i32, i32, i32) {
    %jit3A = arith.constant 3 : i32
    %div3A = arith.divsi %arg0, %jit3A : i32
    %sign3A = arith.constant 0 : i32
    %sign3A_0 = arith.cmpi sgt, %arg0, %sign3A : i32
    %sign3A_1 = arith.extui %sign3A_0 : i1 to i32
    %sign3A_2 = arith.constant 0 : i32
    %sign3A_3 = arith.cmpi slt, %arg0, %sign3A_2 : i32
    %sign3A_4 = arith.extui %sign3A_3 : i1 to i32
    %sign3A_5 = arith.subi %sign3A_1, %sign3A_4 : i32
    %sign3A_6 = arith.constant 0 : i32
    %sign3A_7 = arith.cmpi sgt, %jit3A, %sign3A_6 : i32
    %sign3A_8 = arith.extui %sign3A_7 : i1 to i32
    %sign3A_9 = arith.constant 0 : i32
    %sign3A_10 = arith.cmpi slt, %jit3A, %sign3A_9 : i32
    %sign3A_11 = arith.extui %sign3A_10 : i1 to i32
    %sign3A_12 = arith.subi %sign3A_8, %sign3A_11 : i32
    %ne3A = arith.cmpi ne, %sign3A_5, %sign3A_12 : i32
    %rem3A = arith.remsi %arg0, %jit3A : i32
    %ne3A_13 = arith.constant 0 : i32
    %ne3A_14 = arith.cmpi ne, %rem3A, %ne3A_13 : i32
    %and3A = arith.andi %ne3A, %ne3A_14 : i1
    %sub3A = arith.constant 1 : i32
    %sub3A_15 = arith.subi %div3A, %sub3A : i32
    %select_n3A = arith.select %and3A, %sub3A_15, %div3A : i32
    %c0_i32 = arith.constant 0 : i32
    %c0_i32_16 = arith.constant 0 : i32
    %c0_i32_17 = arith.constant 0 : i32
    return %select_n3A, %c0_i32, %c0_i32_16 : i32, i32, i32
  }
  func.func @transform_3(%arg0: i32, %arg1: i32) -> (i32, i32, i32) {
    %c0_i32 = arith.constant 0 : i32
    %c0_i32_0 = arith.constant 0 : i32
    return %arg0, %c0_i32, %arg1 : i32, i32, i32
  }
}

module attributes {stable_mosaic.version = 14 : i64} {
  func.func @_post_kernel(%arg0: i32, %arg1: memref<256x768xbf16, #tpu.memory_space<vmem>>, %arg2: memref<256x768xf32, #tpu.memory_space<vmem>>, %arg3: memref<768x768xbf16, #tpu.memory_space<vmem>>, %arg4: memref<1x768xf32, #tpu.memory_space<vmem>>, %arg5: memref<768x8xf32, #tpu.memory_space<vmem>>, %arg6: memref<256x768xf32, #tpu.memory_space<vmem>>, %arg7: memref<256x768xf32, #tpu.memory_space<vmem>>, %arg8: memref<256x8xf32, #tpu.memory_space<vmem>>) attributes {dimension_semantics = [#tpu.dimension_semantics<arbitrary>], iteration_bounds = array<i64: 8>, scalar_prefetch = 0 : i64, scratch_operands = 0 : i64, tpu.core_type = #tpu.core_type<tc>, window_params = [{transform_indices = @transform_0, window_bounds = array<i64: 256, 768>}, {transform_indices = @transform_1, window_bounds = array<i64: 256, 768>}, {pipeline_mode = #tpu.pipeline_mode<synchronous>, transform_indices = @transform_2, window_bounds = array<i64: 768, 768>}, {pipeline_mode = #tpu.pipeline_mode<synchronous>, transform_indices = @transform_3, window_bounds = array<i64: 1, 768>}, {pipeline_mode = #tpu.pipeline_mode<synchronous>, transform_indices = @transform_4, window_bounds = array<i64: 768, 8>}, {transform_indices = @transform_5, window_bounds = array<i64: 256, 768>}, {transform_indices = @transform_6, window_bounds = array<i64: 256, 768>}, {transform_indices = @transform_7, window_bounds = array<i64: 256, 8>}]} {
    %get3A = arith.constant 0 : index
    %get3A_0 = arith.constant 0 : index
    %get3A_1 = vector.load %arg2[%get3A, %get3A_0] : memref<256x768xf32, #tpu.memory_space<vmem>>, vector<256x768xf32>
    %get3A_2 = arith.constant 0 : index
    %get3A_3 = arith.constant 0 : index
    %get3A_4 = vector.load %arg1[%get3A_2, %get3A_3] : memref<256x768xbf16, #tpu.memory_space<vmem>>, vector<256x768xbf16>
    %get3A_5 = arith.constant 0 : index
    %get3A_6 = arith.constant 0 : index
    %get3A_7 = vector.load %arg3[%get3A_5, %get3A_6] : memref<768x768xbf16, #tpu.memory_space<vmem>>, vector<768x768xbf16>
    %dot_general3A = arith.constant dense<0.000000e+00> : vector<256x768xf32>
    %dot_general3A_8 = tpu.matmul %get3A_4, %get3A_7, %dot_general3A {dimension_numbers = #tpu.dot_dimension_numbers<[1], [0], [0], [1], [0, 0, 1, 1], [], []>, transpose_lhs_hint = false} : vector<256x768xbf16>, vector<768x768xbf16>, vector<256x768xf32> -> vector<256x768xf32>
    %add3A = arith.addf %get3A_1, %dot_general3A_8 : vector<256x768xf32>
    %swap3A = arith.constant 0 : index
    %swap3A_9 = arith.constant 0 : index
    %swap3A_10 = vector.load %arg6[%swap3A, %swap3A_9] : memref<256x768xf32, #tpu.memory_space<vmem>>, vector<256x768xf32>
    tpu.vector_store %arg6[%swap3A, %swap3A_9], %add3A {strides = array<i32>} : memref<256x768xf32, #tpu.memory_space<vmem>>, vector<256x768xf32>,
    %mul3A = arith.mulf %add3A, %add3A : vector<256x768xf32>
    %reduce_sum3A = arith.constant dense<0.000000e+00> : vector<256xf32>
    %reduce_sum3A_11 = vector.multi_reduction <add>, %mul3A, %reduce_sum3A [1] : vector<256x768xf32> to vector<256xf32>
    %broadcast_in_dim3A = vector.shape_cast %reduce_sum3A_11 : vector<256xf32> to vector<256x1xf32>
    %div3A = arith.constant 7.680000e+02 : f32
    %div3A_12 = vector.broadcast %div3A : f32 to vector<256x1xf32>
    %div3A_13 = arith.divf %broadcast_in_dim3A, %div3A_12 : vector<256x1xf32>
    %add3A_14 = arith.constant 9.99999997E-7 : f32
    %add3A_15 = vector.broadcast %add3A_14 : f32 to vector<256x1xf32>
    %add3A_16 = arith.addf %div3A_13, %add3A_15 : vector<256x1xf32>
    %rsqrt3A = math.rsqrt %add3A_16 : vector<256x1xf32>
    %mul3A_17 = vector.broadcast %rsqrt3A : vector<256x1xf32> to vector<256x768xf32>
    %mul3A_18 = arith.mulf %add3A, %mul3A_17 : vector<256x768xf32>
    %get3A_19 = arith.constant 0 : index
    %get3A_20 = arith.constant 0 : index
    %get3A_21 = vector.load %arg4[%get3A_19, %get3A_20] : memref<1x768xf32, #tpu.memory_space<vmem>>, vector<1x768xf32>
    %mul3A_22 = vector.broadcast %get3A_21 : vector<1x768xf32> to vector<256x768xf32>
    %mul3A_23 = arith.mulf %mul3A_18, %mul3A_22 : vector<256x768xf32>
    %swap3A_24 = arith.constant 0 : index
    %swap3A_25 = arith.constant 0 : index
    %swap3A_26 = vector.load %arg7[%swap3A_24, %swap3A_25] : memref<256x768xf32, #tpu.memory_space<vmem>>, vector<256x768xf32>
    tpu.vector_store %arg7[%swap3A_24, %swap3A_25], %mul3A_23 {strides = array<i32>} : memref<256x768xf32, #tpu.memory_space<vmem>>, vector<256x768xf32>,
    %get3A_27 = arith.constant 0 : index
    %get3A_28 = arith.constant 0 : index
    %get3A_29 = vector.load %arg5[%get3A_27, %get3A_28] : memref<768x8xf32, #tpu.memory_space<vmem>>, vector<768x8xf32>
    %dot_general3A_30 = arith.constant dense<0.000000e+00> : vector<256x8xf32>
    %dot_general3A_31 = tpu.matmul %mul3A_23, %get3A_29, %dot_general3A_30 {dimension_numbers = #tpu.dot_dimension_numbers<[1], [0], [0], [1], [0, 0, 1, 1], [], []>, transpose_lhs_hint = false} : vector<256x768xf32>, vector<768x8xf32>, vector<256x8xf32> -> vector<256x8xf32>
    %logistic3A = arith.negf %dot_general3A_31 : vector<256x8xf32>
    %logistic3A_32 = math.exp %logistic3A : vector<256x8xf32>
    %logistic3A_33 = arith.constant 1.000000e+00 : f32
    %logistic3A_34 = vector.broadcast %logistic3A_33 : f32 to vector<256x8xf32>
    %logistic3A_35 = arith.addf %logistic3A_34, %logistic3A_32 : vector<256x8xf32>
    %logistic3A_36 = arith.divf %logistic3A_34, %logistic3A_35 : vector<256x8xf32>
    %swap3A_37 = arith.constant 0 : index
    %swap3A_38 = arith.constant 0 : index
    %swap3A_39 = vector.load %arg8[%swap3A_37, %swap3A_38] : memref<256x8xf32, #tpu.memory_space<vmem>>, vector<256x8xf32>
    tpu.vector_store %arg8[%swap3A_37, %swap3A_38], %logistic3A_36 {strides = array<i32>} : memref<256x8xf32, #tpu.memory_space<vmem>>, vector<256x8xf32>,
    return
  }
  func.func @transform_0(%arg0: i32) -> (i32, i32) {
    %c0_i32 = arith.constant 0 : i32
    %c0_i32_0 = arith.constant 0 : i32
    return %arg0, %c0_i32 : i32, i32
  }
  func.func @transform_1(%arg0: i32) -> (i32, i32) {
    %c0_i32 = arith.constant 0 : i32
    %c0_i32_0 = arith.constant 0 : i32
    return %arg0, %c0_i32 : i32, i32
  }
  func.func @transform_2(%arg0: i32) -> (i32, i32) {
    %c0_i32 = arith.constant 0 : i32
    %c0_i32_0 = arith.constant 0 : i32
    %c0_i32_1 = arith.constant 0 : i32
    return %c0_i32, %c0_i32_0 : i32, i32
  }
  func.func @transform_3(%arg0: i32) -> (i32, i32) {
    %c0_i32 = arith.constant 0 : i32
    %c0_i32_0 = arith.constant 0 : i32
    %c0_i32_1 = arith.constant 0 : i32
    return %c0_i32, %c0_i32_0 : i32, i32
  }
  func.func @transform_4(%arg0: i32) -> (i32, i32) {
    %c0_i32 = arith.constant 0 : i32
    %c0_i32_0 = arith.constant 0 : i32
    %c0_i32_1 = arith.constant 0 : i32
    return %c0_i32, %c0_i32_0 : i32, i32
  }
  func.func @transform_5(%arg0: i32) -> (i32, i32) {
    %c0_i32 = arith.constant 0 : i32
    %c0_i32_0 = arith.constant 0 : i32
    return %arg0, %c0_i32 : i32, i32
  }
  func.func @transform_6(%arg0: i32) -> (i32, i32) {
    %c0_i32 = arith.constant 0 : i32
    %c0_i32_0 = arith.constant 0 : i32
    return %arg0, %c0_i32 : i32, i32
  }
  func.func @transform_7(%arg0: i32) -> (i32, i32) {
    %c0_i32 = arith.constant 0 : i32
    %c0_i32_0 = arith.constant 0 : i32
    return %arg0, %c0_i32 : i32, i32
  }
}

module attributes {stable_mosaic.version = 14 : i64} {
  func.func @_route_kernel(%arg0: memref<2048x8xf32, #tpu.memory_space<vmem>>, %arg1: memref<1x8xf32, #tpu.memory_space<vmem>>, %arg2: memref<2048x2xf32, #tpu.memory_space<vmem>>, %arg3: memref<2048x2xi32, #tpu.memory_space<vmem>>, %arg4: memref<1x24xi32, #tpu.memory_space<vmem>>) attributes {dimension_semantics = [], scalar_prefetch = 0 : i64, scratch_operands = 0 : i64, tpu.core_type = #tpu.core_type<tc>} {
    %get3A = arith.constant 0 : index
    %get3A_0 = arith.constant 0 : index
    %get3A_1 = vector.load %arg0[%get3A, %get3A_0] : memref<2048x8xf32, #tpu.memory_space<vmem>>, vector<2048x8xf32>
    %get3A_2 = arith.constant 0 : index
    %get3A_3 = arith.constant 0 : index
    %get3A_4 = vector.load %arg1[%get3A_2, %get3A_3] : memref<1x8xf32, #tpu.memory_space<vmem>>, vector<1x8xf32>
    %add3A = vector.broadcast %get3A_4 : vector<1x8xf32> to vector<2048x8xf32>
    %add3A_5 = arith.addf %get3A_1, %add3A : vector<2048x8xf32>
    %slice3A = vector.extract_strided_slice %add3A_5 {offsets = [0, 0], sizes = [2048, 1], strides = [1, 1]} : vector<2048x8xf32> to vector<2048x1xf32>
    %slice3A_6 = vector.extract_strided_slice %add3A_5 {offsets = [0, 1], sizes = [2048, 1], strides = [1, 1]} : vector<2048x8xf32> to vector<2048x1xf32>
    %add3A_7 = arith.addf %slice3A, %slice3A_6 : vector<2048x1xf32>
    %slice3A_8 = vector.extract_strided_slice %add3A_5 {offsets = [0, 2], sizes = [2048, 1], strides = [1, 1]} : vector<2048x8xf32> to vector<2048x1xf32>
    %slice3A_9 = vector.extract_strided_slice %add3A_5 {offsets = [0, 3], sizes = [2048, 1], strides = [1, 1]} : vector<2048x8xf32> to vector<2048x1xf32>
    %add3A_10 = arith.addf %slice3A_8, %slice3A_9 : vector<2048x1xf32>
    %slice3A_11 = vector.extract_strided_slice %add3A_5 {offsets = [0, 4], sizes = [2048, 1], strides = [1, 1]} : vector<2048x8xf32> to vector<2048x1xf32>
    %slice3A_12 = vector.extract_strided_slice %add3A_5 {offsets = [0, 5], sizes = [2048, 1], strides = [1, 1]} : vector<2048x8xf32> to vector<2048x1xf32>
    %add3A_13 = arith.addf %slice3A_11, %slice3A_12 : vector<2048x1xf32>
    %slice3A_14 = vector.extract_strided_slice %add3A_5 {offsets = [0, 6], sizes = [2048, 1], strides = [1, 1]} : vector<2048x8xf32> to vector<2048x1xf32>
    %slice3A_15 = vector.extract_strided_slice %add3A_5 {offsets = [0, 7], sizes = [2048, 1], strides = [1, 1]} : vector<2048x8xf32> to vector<2048x1xf32>
    %add3A_16 = arith.addf %slice3A_14, %slice3A_15 : vector<2048x1xf32>
    %concatenate3A = tpu.concatenate %add3A_7, %add3A_10, %add3A_13, %add3A_16 in 1 : vector<2048x1xf32>, vector<2048x1xf32>, vector<2048x1xf32>, vector<2048x1xf32> -> vector<2048x4xf32>
    %reduce_max3A = arith.constant dense<0xFF800000> : vector<2048xf32>
    %reduce_max3A_17 = vector.multi_reduction <maximumf>, %concatenate3A, %reduce_max3A [1] : vector<2048x4xf32> to vector<2048xf32>
    %broadcast_in_dim3A = vector.shape_cast %reduce_max3A_17 : vector<2048xf32> to vector<2048x1xf32>
    %eq3A = vector.broadcast %broadcast_in_dim3A : vector<2048x1xf32> to vector<2048x4xf32>
    %eq3A_18 = arith.cmpf oeq, %concatenate3A, %eq3A : vector<2048x4xf32>
    %iota3A = tpu.iota {dimensions = array<i32: 1>} : vector<2048x4xi32>
    %jit3A = arith.constant 4 : i32
    %broadcast_in_dim3A_19 = vector.broadcast %jit3A : i32 to vector<2048x4xi32>
    %select_n3A = arith.select %eq3A_18, %iota3A, %broadcast_in_dim3A_19 : vector<2048x4xi1>, vector<2048x4xi32>
    %reduce_min3A = arith.constant dense<2147483647> : vector<2048xi32>
    %reduce_min3A_20 = vector.multi_reduction <minsi>, %select_n3A, %reduce_min3A [1] : vector<2048x4xi32> to vector<2048xi32>
    %broadcast_in_dim3A_21 = vector.shape_cast %reduce_min3A_20 : vector<2048xi32> to vector<2048x1xi32>
    %eq3A_22 = vector.broadcast %broadcast_in_dim3A_21 : vector<2048x1xi32> to vector<2048x4xi32>
    %eq3A_23 = arith.cmpi eq, %iota3A, %eq3A_22 : vector<2048x4xi32>
    %jit3A_24 = arith.constant -1.000000e+30 : f32
    %broadcast_in_dim3A_25 = vector.broadcast %jit3A_24 : f32 to vector<2048x4xf32>
    %select_n3A_26 = arith.select %eq3A_23, %broadcast_in_dim3A_25, %concatenate3A : vector<2048x4xi1>, vector<2048x4xf32>
    %reduce_max3A_27 = arith.constant dense<0xFF800000> : vector<2048xf32>
    %reduce_max3A_28 = vector.multi_reduction <maximumf>, %select_n3A_26, %reduce_max3A_27 [1] : vector<2048x4xf32> to vector<2048xf32>
    %broadcast_in_dim3A_29 = vector.shape_cast %reduce_max3A_28 : vector<2048xf32> to vector<2048x1xf32>
    %eq3A_30 = vector.broadcast %broadcast_in_dim3A_29 : vector<2048x1xf32> to vector<2048x4xf32>
    %eq3A_31 = arith.cmpf oeq, %select_n3A_26, %eq3A_30 : vector<2048x4xf32>
    %iota3A_32 = tpu.iota {dimensions = array<i32: 1>} : vector<2048x4xi32>
    %jit3A_33 = arith.constant 4 : i32
    %broadcast_in_dim3A_34 = vector.broadcast %jit3A_33 : i32 to vector<2048x4xi32>
    %select_n3A_35 = arith.select %eq3A_31, %iota3A_32, %broadcast_in_dim3A_34 : vector<2048x4xi1>, vector<2048x4xi32>
    %reduce_min3A_36 = arith.constant dense<2147483647> : vector<2048xi32>
    %reduce_min3A_37 = vector.multi_reduction <minsi>, %select_n3A_35, %reduce_min3A_36 [1] : vector<2048x4xi32> to vector<2048xi32>
    %broadcast_in_dim3A_38 = vector.shape_cast %reduce_min3A_37 : vector<2048xi32> to vector<2048x1xi32>
    %eq3A_39 = vector.broadcast %broadcast_in_dim3A_38 : vector<2048x1xi32> to vector<2048x4xi32>
    %eq3A_40 = arith.cmpi eq, %iota3A_32, %eq3A_39 : vector<2048x4xi32>
    %or3A = arith.ori %eq3A_23, %eq3A_40 : vector<2048x4xi1>
    %jit3A_41 = arith.constant 1.000000e+00 : f32
    %jit3A_42 = arith.constant 0.000000e+00 : f32
    %broadcast_in_dim3A_43 = vector.broadcast %jit3A_41 : f32 to vector<2048x4xf32>
    %broadcast_in_dim3A_44 = vector.broadcast %jit3A_42 : f32 to vector<2048x4xf32>
    %select_n3A_45 = arith.select %or3A, %broadcast_in_dim3A_43, %broadcast_in_dim3A_44 : vector<2048x4xi1>, vector<2048x4xf32>
    %slice3A_46 = vector.extract_strided_slice %select_n3A_45 {offsets = [0, 0], sizes = [2048, 1], strides = [1, 1]} : vector<2048x4xf32> to vector<2048x1xf32>
    %slice3A_47 = vector.extract_strided_slice %select_n3A_45 {offsets = [0, 0], sizes = [2048, 1], strides = [1, 1]} : vector<2048x4xf32> to vector<2048x1xf32>
    %slice3A_48 = vector.extract_strided_slice %select_n3A_45 {offsets = [0, 1], sizes = [2048, 1], strides = [1, 1]} : vector<2048x4xf32> to vector<2048x1xf32>
    %slice3A_49 = vector.extract_strided_slice %select_n3A_45 {offsets = [0, 1], sizes = [2048, 1], strides = [1, 1]} : vector<2048x4xf32> to vector<2048x1xf32>
    %slice3A_50 = vector.extract_strided_slice %select_n3A_45 {offsets = [0, 2], sizes = [2048, 1], strides = [1, 1]} : vector<2048x4xf32> to vector<2048x1xf32>
    %slice3A_51 = vector.extract_strided_slice %select_n3A_45 {offsets = [0, 2], sizes = [2048, 1], strides = [1, 1]} : vector<2048x4xf32> to vector<2048x1xf32>
    %slice3A_52 = vector.extract_strided_slice %select_n3A_45 {offsets = [0, 3], sizes = [2048, 1], strides = [1, 1]} : vector<2048x4xf32> to vector<2048x1xf32>
    %slice3A_53 = vector.extract_strided_slice %select_n3A_45 {offsets = [0, 3], sizes = [2048, 1], strides = [1, 1]} : vector<2048x4xf32> to vector<2048x1xf32>
    %concatenate3A_54 = tpu.concatenate %slice3A_46, %slice3A_47, %slice3A_48, %slice3A_49, %slice3A_50, %slice3A_51, %slice3A_52, %slice3A_53 in 1 : vector<2048x1xf32>, vector<2048x1xf32>, vector<2048x1xf32>, vector<2048x1xf32>, vector<2048x1xf32>, vector<2048x1xf32>, vector<2048x1xf32>, vector<2048x1xf32> -> vector<2048x8xf32>
    %gt3A = arith.constant 5.000000e-01 : f32
    %gt3A_55 = vector.broadcast %gt3A : f32 to vector<2048x8xf32>
    %gt3A_56 = arith.cmpf ogt, %concatenate3A_54, %gt3A_55 : vector<2048x8xf32>
    %jit3A_57 = arith.constant -1.000000e+30 : f32
    %broadcast_in_dim3A_58 = vector.broadcast %jit3A_57 : f32 to vector<2048x8xf32>
    %select_n3A_59 = arith.select %gt3A_56, %add3A_5, %broadcast_in_dim3A_58 : vector<2048x8xi1>, vector<2048x8xf32>
    %reduce_max3A_60 = arith.constant dense<0xFF800000> : vector<2048xf32>
    %reduce_max3A_61 = vector.multi_reduction <maximumf>, %select_n3A_59, %reduce_max3A_60 [1] : vector<2048x8xf32> to vector<2048xf32>
    %broadcast_in_dim3A_62 = vector.shape_cast %reduce_max3A_61 : vector<2048xf32> to vector<2048x1xf32>
    %eq3A_63 = vector.broadcast %broadcast_in_dim3A_62 : vector<2048x1xf32> to vector<2048x8xf32>
    %eq3A_64 = arith.cmpf oeq, %select_n3A_59, %eq3A_63 : vector<2048x8xf32>
    %iota3A_65 = tpu.iota {dimensions = array<i32: 1>} : vector<2048x8xi32>
    %jit3A_66 = arith.constant 8 : i32
    %broadcast_in_dim3A_67 = vector.broadcast %jit3A_66 : i32 to vector<2048x8xi32>
    %select_n3A_68 = arith.select %eq3A_64, %iota3A_65, %broadcast_in_dim3A_67 : vector<2048x8xi1>, vector<2048x8xi32>
    %reduce_min3A_69 = arith.constant dense<2147483647> : vector<2048xi32>
    %reduce_min3A_70 = vector.multi_reduction <minsi>, %select_n3A_68, %reduce_min3A_69 [1] : vector<2048x8xi32> to vector<2048xi32>
    %broadcast_in_dim3A_71 = vector.shape_cast %reduce_min3A_70 : vector<2048xi32> to vector<2048x1xi32>
    %eq3A_72 = vector.broadcast %broadcast_in_dim3A_71 : vector<2048x1xi32> to vector<2048x8xi32>
    %eq3A_73 = arith.cmpi eq, %iota3A_65, %eq3A_72 : vector<2048x8xi32>
    %jit3A_74 = arith.constant -1.000000e+30 : f32
    %broadcast_in_dim3A_75 = vector.broadcast %jit3A_74 : f32 to vector<2048x8xf32>
    %select_n3A_76 = arith.select %eq3A_73, %broadcast_in_dim3A_75, %select_n3A_59 : vector<2048x8xi1>, vector<2048x8xf32>
    %reduce_max3A_77 = arith.constant dense<0xFF800000> : vector<2048xf32>
    %reduce_max3A_78 = vector.multi_reduction <maximumf>, %select_n3A_76, %reduce_max3A_77 [1] : vector<2048x8xf32> to vector<2048xf32>
    %broadcast_in_dim3A_79 = vector.shape_cast %reduce_max3A_78 : vector<2048xf32> to vector<2048x1xf32>
    %eq3A_80 = vector.broadcast %broadcast_in_dim3A_79 : vector<2048x1xf32> to vector<2048x8xf32>
    %eq3A_81 = arith.cmpf oeq, %select_n3A_76, %eq3A_80 : vector<2048x8xf32>
    %iota3A_82 = tpu.iota {dimensions = array<i32: 1>} : vector<2048x8xi32>
    %jit3A_83 = arith.constant 8 : i32
    %broadcast_in_dim3A_84 = vector.broadcast %jit3A_83 : i32 to vector<2048x8xi32>
    %select_n3A_85 = arith.select %eq3A_81, %iota3A_82, %broadcast_in_dim3A_84 : vector<2048x8xi1>, vector<2048x8xi32>
    %reduce_min3A_86 = arith.constant dense<2147483647> : vector<2048xi32>
    %reduce_min3A_87 = vector.multi_reduction <minsi>, %select_n3A_85, %reduce_min3A_86 [1] : vector<2048x8xi32> to vector<2048xi32>
    %broadcast_in_dim3A_88 = vector.shape_cast %reduce_min3A_87 : vector<2048xi32> to vector<2048x1xi32>
    %eq3A_89 = vector.broadcast %broadcast_in_dim3A_88 : vector<2048x1xi32> to vector<2048x8xi32>
    %eq3A_90 = arith.cmpi eq, %iota3A_82, %eq3A_89 : vector<2048x8xi32>
    %jit3A_91 = arith.constant 0.000000e+00 : f32
    %broadcast_in_dim3A_92 = vector.broadcast %jit3A_91 : f32 to vector<2048x8xf32>
    %select_n3A_93 = arith.select %eq3A_73, %get3A_1, %broadcast_in_dim3A_92 : vector<2048x8xi1>, vector<2048x8xf32>
    %reduce_sum3A = arith.constant dense<0.000000e+00> : vector<2048xf32>
    %reduce_sum3A_94 = vector.multi_reduction <add>, %select_n3A_93, %reduce_sum3A [1] : vector<2048x8xf32> to vector<2048xf32>
    %broadcast_in_dim3A_95 = vector.shape_cast %reduce_sum3A_94 : vector<2048xf32> to vector<2048x1xf32>
    %jit3A_96 = arith.constant 0.000000e+00 : f32
    %broadcast_in_dim3A_97 = vector.broadcast %jit3A_96 : f32 to vector<2048x8xf32>
    %select_n3A_98 = arith.select %eq3A_90, %get3A_1, %broadcast_in_dim3A_97 : vector<2048x8xi1>, vector<2048x8xf32>
    %reduce_sum3A_99 = arith.constant dense<0.000000e+00> : vector<2048xf32>
    %reduce_sum3A_100 = vector.multi_reduction <add>, %select_n3A_98, %reduce_sum3A_99 [1] : vector<2048x8xf32> to vector<2048xf32>
    %broadcast_in_dim3A_101 = vector.shape_cast %reduce_sum3A_100 : vector<2048xf32> to vector<2048x1xf32>
    %add3A_102 = arith.addf %broadcast_in_dim3A_95, %broadcast_in_dim3A_101 : vector<2048x1xf32>
    %add3A_103 = arith.constant 9.99999968E-21 : f32
    %add3A_104 = vector.broadcast %add3A_103 : f32 to vector<2048x1xf32>
    %add3A_105 = arith.addf %add3A_102, %add3A_104 : vector<2048x1xf32>
    %concatenate3A_106 = tpu.concatenate %broadcast_in_dim3A_95, %broadcast_in_dim3A_101 in 1 : vector<2048x1xf32>, vector<2048x1xf32> -> vector<2048x2xf32>
    %div3A = vector.broadcast %add3A_105 : vector<2048x1xf32> to vector<2048x2xf32>
    %div3A_107 = arith.divf %concatenate3A_106, %div3A : vector<2048x2xf32>
    %mul3A = arith.constant 2.500000e+00 : f32
    %mul3A_108 = vector.broadcast %mul3A : f32 to vector<2048x2xf32>
    %mul3A_109 = arith.mulf %div3A_107, %mul3A_108 : vector<2048x2xf32>
    %swap3A = arith.constant 0 : index
    %swap3A_110 = arith.constant 0 : index
    %swap3A_111 = vector.load %arg2[%swap3A, %swap3A_110] : memref<2048x2xf32, #tpu.memory_space<vmem>>, vector<2048x2xf32>
    tpu.vector_store %arg2[%swap3A, %swap3A_110], %mul3A_109 {strides = array<i32>} : memref<2048x2xf32, #tpu.memory_space<vmem>>, vector<2048x2xf32>,
    %jit3A_112 = arith.constant 1.000000e+00 : f32
    %jit3A_113 = arith.constant 0.000000e+00 : f32
    %broadcast_in_dim3A_114 = vector.broadcast %jit3A_112 : f32 to vector<2048x8xf32>
    %broadcast_in_dim3A_115 = vector.broadcast %jit3A_113 : f32 to vector<2048x8xf32>
    %select_n3A_116 = arith.select %eq3A_73, %broadcast_in_dim3A_114, %broadcast_in_dim3A_115 : vector<2048x8xi1>, vector<2048x8xf32>
    %jit3A_117 = arith.constant 1.000000e+00 : f32
    %jit3A_118 = arith.constant 0.000000e+00 : f32
    %broadcast_in_dim3A_119 = vector.broadcast %jit3A_117 : f32 to vector<2048x8xf32>
    %broadcast_in_dim3A_120 = vector.broadcast %jit3A_118 : f32 to vector<2048x8xf32>
    %select_n3A_121 = arith.select %eq3A_90, %broadcast_in_dim3A_119, %broadcast_in_dim3A_120 : vector<2048x8xi1>, vector<2048x8xf32>
    %add3A_122 = arith.addf %select_n3A_116, %select_n3A_121 : vector<2048x8xf32>
    %iota3A_123 = tpu.iota {dimensions = array<i32: 0>} : vector<256x256xi32>
    %iota3A_124 = tpu.iota {dimensions = array<i32: 1>} : vector<256x256xi32>
    %gt3A_125 = arith.cmpi sgt, %iota3A_123, %iota3A_124 : vector<256x256xi32>
    %convert_element_type3A = arith.extui %gt3A_125 : vector<256x256xi1> to vector<256x256xi32>
    %convert_element_type3A_126 = arith.sitofp %convert_element_type3A : vector<256x256xi32> to vector<256x256xf32>
    %broadcast_in_dim3A_127 = arith.constant 0.000000e+00 : f32
    %broadcast_in_dim3A_128 = vector.broadcast %broadcast_in_dim3A_127 : f32 to vector<1x8xf32>
    %slice3A_129 = vector.extract_strided_slice %add3A_122 {offsets = [0, 0], sizes = [256, 8], strides = [1, 1]} : vector<2048x8xf32> to vector<256x8xf32>
    %dot_general3A = arith.constant dense<0.000000e+00> : vector<256x8xf32>
    %dot_general3A_130 = tpu.matmul %convert_element_type3A_126, %slice3A_129, %dot_general3A {dimension_numbers = #tpu.dot_dimension_numbers<[1], [0], [0], [1], [0, 0, 1, 1], [], []>, precision = #tpu.contract_precision<fp32>, transpose_lhs_hint = false} : vector<256x256xf32>, vector<256x8xf32>, vector<256x8xf32> -> vector<256x8xf32>
    %add3A_131 = vector.broadcast %broadcast_in_dim3A_128 : vector<1x8xf32> to vector<256x8xf32>
    %add3A_132 = arith.addf %dot_general3A_130, %add3A_131 : vector<256x8xf32>
    %reduce_sum3A_133 = arith.constant dense<0.000000e+00> : vector<8xf32>
    %reduce_sum3A_134 = vector.multi_reduction <add>, %slice3A_129, %reduce_sum3A_133 [0] : vector<256x8xf32> to vector<8xf32>
    %broadcast_in_dim3A_135 = vector.shape_cast %reduce_sum3A_134 : vector<8xf32> to vector<1x8xf32>
    %add3A_136 = arith.addf %broadcast_in_dim3A_128, %broadcast_in_dim3A_135 : vector<1x8xf32>
    %slice3A_137 = vector.extract_strided_slice %add3A_122 {offsets = [256, 0], sizes = [256, 8], strides = [1, 1]} : vector<2048x8xf32> to vector<256x8xf32>
    %dot_general3A_138 = arith.constant dense<0.000000e+00> : vector<256x8xf32>
    %dot_general3A_139 = tpu.matmul %convert_element_type3A_126, %slice3A_137, %dot_general3A_138 {dimension_numbers = #tpu.dot_dimension_numbers<[1], [0], [0], [1], [0, 0, 1, 1], [], []>, precision = #tpu.contract_precision<fp32>, transpose_lhs_hint = false} : vector<256x256xf32>, vector<256x8xf32>, vector<256x8xf32> -> vector<256x8xf32>
    %add3A_140 = vector.broadcast %add3A_136 : vector<1x8xf32> to vector<256x8xf32>
    %add3A_141 = arith.addf %dot_general3A_139, %add3A_140 : vector<256x8xf32>
    %reduce_sum3A_142 = arith.constant dense<0.000000e+00> : vector<8xf32>
    %reduce_sum3A_143 = vector.multi_reduction <add>, %slice3A_137, %reduce_sum3A_142 [0] : vector<256x8xf32> to vector<8xf32>
    %broadcast_in_dim3A_144 = vector.shape_cast %reduce_sum3A_143 : vector<8xf32> to vector<1x8xf32>
    %add3A_145 = arith.addf %add3A_136, %broadcast_in_dim3A_144 : vector<1x8xf32>
    %slice3A_146 = vector.extract_strided_slice %add3A_122 {offsets = [512, 0], sizes = [256, 8], strides = [1, 1]} : vector<2048x8xf32> to vector<256x8xf32>
    %dot_general3A_147 = arith.constant dense<0.000000e+00> : vector<256x8xf32>
    %dot_general3A_148 = tpu.matmul %convert_element_type3A_126, %slice3A_146, %dot_general3A_147 {dimension_numbers = #tpu.dot_dimension_numbers<[1], [0], [0], [1], [0, 0, 1, 1], [], []>, precision = #tpu.contract_precision<fp32>, transpose_lhs_hint = false} : vector<256x256xf32>, vector<256x8xf32>, vector<256x8xf32> -> vector<256x8xf32>
    %add3A_149 = vector.broadcast %add3A_145 : vector<1x8xf32> to vector<256x8xf32>
    %add3A_150 = arith.addf %dot_general3A_148, %add3A_149 : vector<256x8xf32>
    %reduce_sum3A_151 = arith.constant dense<0.000000e+00> : vector<8xf32>
    %reduce_sum3A_152 = vector.multi_reduction <add>, %slice3A_146, %reduce_sum3A_151 [0] : vector<256x8xf32> to vector<8xf32>
    %broadcast_in_dim3A_153 = vector.shape_cast %reduce_sum3A_152 : vector<8xf32> to vector<1x8xf32>
    %add3A_154 = arith.addf %add3A_145, %broadcast_in_dim3A_153 : vector<1x8xf32>
    %slice3A_155 = vector.extract_strided_slice %add3A_122 {offsets = [768, 0], sizes = [256, 8], strides = [1, 1]} : vector<2048x8xf32> to vector<256x8xf32>
    %dot_general3A_156 = arith.constant dense<0.000000e+00> : vector<256x8xf32>
    %dot_general3A_157 = tpu.matmul %convert_element_type3A_126, %slice3A_155, %dot_general3A_156 {dimension_numbers = #tpu.dot_dimension_numbers<[1], [0], [0], [1], [0, 0, 1, 1], [], []>, precision = #tpu.contract_precision<fp32>, transpose_lhs_hint = false} : vector<256x256xf32>, vector<256x8xf32>, vector<256x8xf32> -> vector<256x8xf32>
    %add3A_158 = vector.broadcast %add3A_154 : vector<1x8xf32> to vector<256x8xf32>
    %add3A_159 = arith.addf %dot_general3A_157, %add3A_158 : vector<256x8xf32>
    %reduce_sum3A_160 = arith.constant dense<0.000000e+00> : vector<8xf32>
    %reduce_sum3A_161 = vector.multi_reduction <add>, %slice3A_155, %reduce_sum3A_160 [0] : vector<256x8xf32> to vector<8xf32>
    %broadcast_in_dim3A_162 = vector.shape_cast %reduce_sum3A_161 : vector<8xf32> to vector<1x8xf32>
    %add3A_163 = arith.addf %add3A_154, %broadcast_in_dim3A_162 : vector<1x8xf32>
    %slice3A_164 = vector.extract_strided_slice %add3A_122 {offsets = [1024, 0], sizes = [256, 8], strides = [1, 1]} : vector<2048x8xf32> to vector<256x8xf32>
    %dot_general3A_165 = arith.constant dense<0.000000e+00> : vector<256x8xf32>
    %dot_general3A_166 = tpu.matmul %convert_element_type3A_126, %slice3A_164, %dot_general3A_165 {dimension_numbers = #tpu.dot_dimension_numbers<[1], [0], [0], [1], [0, 0, 1, 1], [], []>, precision = #tpu.contract_precision<fp32>, transpose_lhs_hint = false} : vector<256x256xf32>, vector<256x8xf32>, vector<256x8xf32> -> vector<256x8xf32>
    %add3A_167 = vector.broadcast %add3A_163 : vector<1x8xf32> to vector<256x8xf32>
    %add3A_168 = arith.addf %dot_general3A_166, %add3A_167 : vector<256x8xf32>
    %reduce_sum3A_169 = arith.constant dense<0.000000e+00> : vector<8xf32>
    %reduce_sum3A_170 = vector.multi_reduction <add>, %slice3A_164, %reduce_sum3A_169 [0] : vector<256x8xf32> to vector<8xf32>
    %broadcast_in_dim3A_171 = vector.shape_cast %reduce_sum3A_170 : vector<8xf32> to vector<1x8xf32>
    %add3A_172 = arith.addf %add3A_163, %broadcast_in_dim3A_171 : vector<1x8xf32>
    %slice3A_173 = vector.extract_strided_slice %add3A_122 {offsets = [1280, 0], sizes = [256, 8], strides = [1, 1]} : vector<2048x8xf32> to vector<256x8xf32>
    %dot_general3A_174 = arith.constant dense<0.000000e+00> : vector<256x8xf32>
    %dot_general3A_175 = tpu.matmul %convert_element_type3A_126, %slice3A_173, %dot_general3A_174 {dimension_numbers = #tpu.dot_dimension_numbers<[1], [0], [0], [1], [0, 0, 1, 1], [], []>, precision = #tpu.contract_precision<fp32>, transpose_lhs_hint = false} : vector<256x256xf32>, vector<256x8xf32>, vector<256x8xf32> -> vector<256x8xf32>
    %add3A_176 = vector.broadcast %add3A_172 : vector<1x8xf32> to vector<256x8xf32>
    %add3A_177 = arith.addf %dot_general3A_175, %add3A_176 : vector<256x8xf32>
    %reduce_sum3A_178 = arith.constant dense<0.000000e+00> : vector<8xf32>
    %reduce_sum3A_179 = vector.multi_reduction <add>, %slice3A_173, %reduce_sum3A_178 [0] : vector<256x8xf32> to vector<8xf32>
    %broadcast_in_dim3A_180 = vector.shape_cast %reduce_sum3A_179 : vector<8xf32> to vector<1x8xf32>
    %add3A_181 = arith.addf %add3A_172, %broadcast_in_dim3A_180 : vector<1x8xf32>
    %slice3A_182 = vector.extract_strided_slice %add3A_122 {offsets = [1536, 0], sizes = [256, 8], strides = [1, 1]} : vector<2048x8xf32> to vector<256x8xf32>
    %dot_general3A_183 = arith.constant dense<0.000000e+00> : vector<256x8xf32>
    %dot_general3A_184 = tpu.matmul %convert_element_type3A_126, %slice3A_182, %dot_general3A_183 {dimension_numbers = #tpu.dot_dimension_numbers<[1], [0], [0], [1], [0, 0, 1, 1], [], []>, precision = #tpu.contract_precision<fp32>, transpose_lhs_hint = false} : vector<256x256xf32>, vector<256x8xf32>, vector<256x8xf32> -> vector<256x8xf32>
    %add3A_185 = vector.broadcast %add3A_181 : vector<1x8xf32> to vector<256x8xf32>
    %add3A_186 = arith.addf %dot_general3A_184, %add3A_185 : vector<256x8xf32>
    %reduce_sum3A_187 = arith.constant dense<0.000000e+00> : vector<8xf32>
    %reduce_sum3A_188 = vector.multi_reduction <add>, %slice3A_182, %reduce_sum3A_187 [0] : vector<256x8xf32> to vector<8xf32>
    %broadcast_in_dim3A_189 = vector.shape_cast %reduce_sum3A_188 : vector<8xf32> to vector<1x8xf32>
    %add3A_190 = arith.addf %add3A_181, %broadcast_in_dim3A_189 : vector<1x8xf32>
    %slice3A_191 = vector.extract_strided_slice %add3A_122 {offsets = [1792, 0], sizes = [256, 8], strides = [1, 1]} : vector<2048x8xf32> to vector<256x8xf32>
    %dot_general3A_192 = arith.constant dense<0.000000e+00> : vector<256x8xf32>
    %dot_general3A_193 = tpu.matmul %convert_element_type3A_126, %slice3A_191, %dot_general3A_192 {dimension_numbers = #tpu.dot_dimension_numbers<[1], [0], [0], [1], [0, 0, 1, 1], [], []>, precision = #tpu.contract_precision<fp32>, transpose_lhs_hint = false} : vector<256x256xf32>, vector<256x8xf32>, vector<256x8xf32> -> vector<256x8xf32>
    %add3A_194 = vector.broadcast %add3A_190 : vector<1x8xf32> to vector<256x8xf32>
    %add3A_195 = arith.addf %dot_general3A_193, %add3A_194 : vector<256x8xf32>
    %reduce_sum3A_196 = arith.constant dense<0.000000e+00> : vector<8xf32>
    %reduce_sum3A_197 = vector.multi_reduction <add>, %slice3A_191, %reduce_sum3A_196 [0] : vector<256x8xf32> to vector<8xf32>
    %broadcast_in_dim3A_198 = vector.shape_cast %reduce_sum3A_197 : vector<8xf32> to vector<1x8xf32>
    %add3A_199 = arith.addf %add3A_190, %broadcast_in_dim3A_198 : vector<1x8xf32>
    %concatenate3A_200 = tpu.concatenate %add3A_132, %add3A_141, %add3A_150, %add3A_159, %add3A_168, %add3A_177, %add3A_186, %add3A_195 in 0 : vector<256x8xf32>, vector<256x8xf32>, vector<256x8xf32>, vector<256x8xf32>, vector<256x8xf32>, vector<256x8xf32>, vector<256x8xf32>, vector<256x8xf32> -> vector<2048x8xf32>
    %add3A_201 = arith.constant 2.550000e+02 : f32
    %add3A_202 = vector.broadcast %add3A_201 : f32 to vector<1x8xf32>
    %add3A_203 = arith.addf %add3A_199, %add3A_202 : vector<1x8xf32>
    %div3A_204 = arith.constant 2.560000e+02 : f32
    %div3A_205 = vector.broadcast %div3A_204 : f32 to vector<1x8xf32>
    %div3A_206 = arith.divf %add3A_203, %div3A_205 : vector<1x8xf32>
    %floor3A = math.floor %div3A_206 : vector<1x8xf32>
    %mul3A_207 = arith.constant 2.560000e+02 : f32
    %mul3A_208 = vector.broadcast %mul3A_207 : f32 to vector<1x8xf32>
    %mul3A_209 = arith.mulf %floor3A, %mul3A_208 : vector<1x8xf32>
    %slice3A_210 = vector.extract_strided_slice %mul3A_209 {offsets = [0, 0], sizes = [1, 1], strides = [1, 1]} : vector<1x8xf32> to vector<1x1xf32>
    %reduce_sum3A_211 = arith.constant dense<0.000000e+00> : vector<1xf32>
    %reduce_sum3A_212 = vector.multi_reduction <add>, %slice3A_210, %reduce_sum3A_211 [1] : vector<1x1xf32> to vector<1xf32>
    %broadcast_in_dim3A_213 = vector.shape_cast %reduce_sum3A_212 : vector<1xf32> to vector<1x1xf32>
    %slice3A_214 = vector.extract_strided_slice %mul3A_209 {offsets = [0, 0], sizes = [1, 2], strides = [1, 1]} : vector<1x8xf32> to vector<1x2xf32>
    %reduce_sum3A_215 = arith.constant dense<0.000000e+00> : vector<1xf32>
    %reduce_sum3A_216 = vector.multi_reduction <add>, %slice3A_214, %reduce_sum3A_215 [1] : vector<1x2xf32> to vector<1xf32>
    %broadcast_in_dim3A_217 = vector.shape_cast %reduce_sum3A_216 : vector<1xf32> to vector<1x1xf32>
    %slice3A_218 = vector.extract_strided_slice %mul3A_209 {offsets = [0, 0], sizes = [1, 3], strides = [1, 1]} : vector<1x8xf32> to vector<1x3xf32>
    %reduce_sum3A_219 = arith.constant dense<0.000000e+00> : vector<1xf32>
    %reduce_sum3A_220 = vector.multi_reduction <add>, %slice3A_218, %reduce_sum3A_219 [1] : vector<1x3xf32> to vector<1xf32>
    %broadcast_in_dim3A_221 = vector.shape_cast %reduce_sum3A_220 : vector<1xf32> to vector<1x1xf32>
    %slice3A_222 = vector.extract_strided_slice %mul3A_209 {offsets = [0, 0], sizes = [1, 4], strides = [1, 1]} : vector<1x8xf32> to vector<1x4xf32>
    %reduce_sum3A_223 = arith.constant dense<0.000000e+00> : vector<1xf32>
    %reduce_sum3A_224 = vector.multi_reduction <add>, %slice3A_222, %reduce_sum3A_223 [1] : vector<1x4xf32> to vector<1xf32>
    %broadcast_in_dim3A_225 = vector.shape_cast %reduce_sum3A_224 : vector<1xf32> to vector<1x1xf32>
    %slice3A_226 = vector.extract_strided_slice %mul3A_209 {offsets = [0, 0], sizes = [1, 5], strides = [1, 1]} : vector<1x8xf32> to vector<1x5xf32>
    %reduce_sum3A_227 = arith.constant dense<0.000000e+00> : vector<1xf32>
    %reduce_sum3A_228 = vector.multi_reduction <add>, %slice3A_226, %reduce_sum3A_227 [1] : vector<1x5xf32> to vector<1xf32>
    %broadcast_in_dim3A_229 = vector.shape_cast %reduce_sum3A_228 : vector<1xf32> to vector<1x1xf32>
    %slice3A_230 = vector.extract_strided_slice %mul3A_209 {offsets = [0, 0], sizes = [1, 6], strides = [1, 1]} : vector<1x8xf32> to vector<1x6xf32>
    %reduce_sum3A_231 = arith.constant dense<0.000000e+00> : vector<1xf32>
    %reduce_sum3A_232 = vector.multi_reduction <add>, %slice3A_230, %reduce_sum3A_231 [1] : vector<1x6xf32> to vector<1xf32>
    %broadcast_in_dim3A_233 = vector.shape_cast %reduce_sum3A_232 : vector<1xf32> to vector<1x1xf32>
    %slice3A_234 = vector.extract_strided_slice %mul3A_209 {offsets = [0, 0], sizes = [1, 7], strides = [1, 1]} : vector<1x8xf32> to vector<1x7xf32>
    %reduce_sum3A_235 = arith.constant dense<0.000000e+00> : vector<1xf32>
    %reduce_sum3A_236 = vector.multi_reduction <add>, %slice3A_234, %reduce_sum3A_235 [1] : vector<1x7xf32> to vector<1xf32>
    %broadcast_in_dim3A_237 = vector.shape_cast %reduce_sum3A_236 : vector<1xf32> to vector<1x1xf32>
    %reduce_sum3A_238 = arith.constant dense<0.000000e+00> : vector<1xf32>
    %reduce_sum3A_239 = vector.multi_reduction <add>, %mul3A_209, %reduce_sum3A_238 [1] : vector<1x8xf32> to vector<1xf32>
    %broadcast_in_dim3A_240 = vector.shape_cast %reduce_sum3A_239 : vector<1xf32> to vector<1x1xf32>
    %concatenate3A_241 = tpu.concatenate %broadcast_in_dim3A_213, %broadcast_in_dim3A_217, %broadcast_in_dim3A_221, %broadcast_in_dim3A_225, %broadcast_in_dim3A_229, %broadcast_in_dim3A_233, %broadcast_in_dim3A_237, %broadcast_in_dim3A_240 in 1 : vector<1x1xf32>, vector<1x1xf32>, vector<1x1xf32>, vector<1x1xf32>, vector<1x1xf32>, vector<1x1xf32>, vector<1x1xf32>, vector<1x1xf32> -> vector<1x8xf32>
    %sub3A = arith.subf %concatenate3A_241, %mul3A_209 : vector<1x8xf32>
    %add3A_242 = vector.broadcast %sub3A : vector<1x8xf32> to vector<2048x8xf32>
    %add3A_243 = arith.addf %add3A_242, %concatenate3A_200 : vector<2048x8xf32>
    %mul3A_244 = arith.mulf %select_n3A_116, %add3A_243 : vector<2048x8xf32>
    %reduce_sum3A_245 = arith.constant dense<0.000000e+00> : vector<2048xf32>
    %reduce_sum3A_246 = vector.multi_reduction <add>, %mul3A_244, %reduce_sum3A_245 [1] : vector<2048x8xf32> to vector<2048xf32>
    %broadcast_in_dim3A_247 = vector.shape_cast %reduce_sum3A_246 : vector<2048xf32> to vector<2048x1xf32>
    %mul3A_248 = arith.mulf %select_n3A_121, %add3A_243 : vector<2048x8xf32>
    %reduce_sum3A_249 = arith.constant dense<0.000000e+00> : vector<2048xf32>
    %reduce_sum3A_250 = vector.multi_reduction <add>, %mul3A_248, %reduce_sum3A_249 [1] : vector<2048x8xf32> to vector<2048xf32>
    %broadcast_in_dim3A_251 = vector.shape_cast %reduce_sum3A_250 : vector<2048xf32> to vector<2048x1xf32>
    %concatenate3A_252 = tpu.concatenate %broadcast_in_dim3A_247, %broadcast_in_dim3A_251 in 1 : vector<2048x1xf32>, vector<2048x1xf32> -> vector<2048x2xf32>
    %convert_element_type3A_253 = arith.fptosi %concatenate3A_252 : vector<2048x2xf32> to vector<2048x2xi32>
    %swap3A_254 = arith.constant 0 : index
    %swap3A_255 = arith.constant 0 : index
    %swap3A_256 = vector.load %arg3[%swap3A_254, %swap3A_255] : memref<2048x2xi32, #tpu.memory_space<vmem>>, vector<2048x2xi32>
    tpu.vector_store %arg3[%swap3A_254, %swap3A_255], %convert_element_type3A_253 {strides = array<i32>} : memref<2048x2xi32, #tpu.memory_space<vmem>>, vector<2048x2xi32>,
    %iota3A_257 = tpu.iota {dimensions = array<i32: 1>} : vector<1x24xi32>
    %mul3A_258 = arith.constant 256 : i32
    %mul3A_259 = vector.broadcast %mul3A_258 : i32 to vector<1x24xi32>
    %mul3A_260 = arith.muli %iota3A_257, %mul3A_259 : vector<1x24xi32>
    %convert_element_type3A_261 = arith.sitofp %mul3A_260 : vector<1x24xi32> to vector<1x24xf32>
    %broadcast_in_dim3A_262 = arith.constant 0 : i32
    %broadcast_in_dim3A_263 = vector.broadcast %broadcast_in_dim3A_262 : i32 to vector<1x24xi32>
    %slice3A_264 = vector.extract_strided_slice %concatenate3A_241 {offsets = [0, 0], sizes = [1, 1], strides = [1, 1]} : vector<1x8xf32> to vector<1x1xf32>
    %ge3A = vector.broadcast %slice3A_264 : vector<1x1xf32> to vector<1x24xf32>
    %ge3A_265 = arith.cmpf oge, %convert_element_type3A_261, %ge3A : vector<1x24xf32>
    %jit3A_266 = arith.constant 1 : i32
    %jit3A_267 = arith.constant 0 : i32
    %broadcast_in_dim3A_268 = vector.broadcast %jit3A_266 : i32 to vector<1x24xi32>
    %broadcast_in_dim3A_269 = vector.broadcast %jit3A_267 : i32 to vector<1x24xi32>
    %select_n3A_270 = arith.select %ge3A_265, %broadcast_in_dim3A_268, %broadcast_in_dim3A_269 : vector<1x24xi1>, vector<1x24xi32>
    %add3A_271 = arith.addi %broadcast_in_dim3A_263, %select_n3A_270 : vector<1x24xi32>
    %slice3A_272 = vector.extract_strided_slice %concatenate3A_241 {offsets = [0, 1], sizes = [1, 1], strides = [1, 1]} : vector<1x8xf32> to vector<1x1xf32>
    %ge3A_273 = vector.broadcast %slice3A_272 : vector<1x1xf32> to vector<1x24xf32>
    %ge3A_274 = arith.cmpf oge, %convert_element_type3A_261, %ge3A_273 : vector<1x24xf32>
    %jit3A_275 = arith.constant 1 : i32
    %jit3A_276 = arith.constant 0 : i32
    %broadcast_in_dim3A_277 = vector.broadcast %jit3A_275 : i32 to vector<1x24xi32>
    %broadcast_in_dim3A_278 = vector.broadcast %jit3A_276 : i32 to vector<1x24xi32>
    %select_n3A_279 = arith.select %ge3A_274, %broadcast_in_dim3A_277, %broadcast_in_dim3A_278 : vector<1x24xi1>, vector<1x24xi32>
    %add3A_280 = arith.addi %add3A_271, %select_n3A_279 : vector<1x24xi32>
    %slice3A_281 = vector.extract_strided_slice %concatenate3A_241 {offsets = [0, 2], sizes = [1, 1], strides = [1, 1]} : vector<1x8xf32> to vector<1x1xf32>
    %ge3A_282 = vector.broadcast %slice3A_281 : vector<1x1xf32> to vector<1x24xf32>
    %ge3A_283 = arith.cmpf oge, %convert_element_type3A_261, %ge3A_282 : vector<1x24xf32>
    %jit3A_284 = arith.constant 1 : i32
    %jit3A_285 = arith.constant 0 : i32
    %broadcast_in_dim3A_286 = vector.broadcast %jit3A_284 : i32 to vector<1x24xi32>
    %broadcast_in_dim3A_287 = vector.broadcast %jit3A_285 : i32 to vector<1x24xi32>
    %select_n3A_288 = arith.select %ge3A_283, %broadcast_in_dim3A_286, %broadcast_in_dim3A_287 : vector<1x24xi1>, vector<1x24xi32>
    %add3A_289 = arith.addi %add3A_280, %select_n3A_288 : vector<1x24xi32>
    %slice3A_290 = vector.extract_strided_slice %concatenate3A_241 {offsets = [0, 3], sizes = [1, 1], strides = [1, 1]} : vector<1x8xf32> to vector<1x1xf32>
    %ge3A_291 = vector.broadcast %slice3A_290 : vector<1x1xf32> to vector<1x24xf32>
    %ge3A_292 = arith.cmpf oge, %convert_element_type3A_261, %ge3A_291 : vector<1x24xf32>
    %jit3A_293 = arith.constant 1 : i32
    %jit3A_294 = arith.constant 0 : i32
    %broadcast_in_dim3A_295 = vector.broadcast %jit3A_293 : i32 to vector<1x24xi32>
    %broadcast_in_dim3A_296 = vector.broadcast %jit3A_294 : i32 to vector<1x24xi32>
    %select_n3A_297 = arith.select %ge3A_292, %broadcast_in_dim3A_295, %broadcast_in_dim3A_296 : vector<1x24xi1>, vector<1x24xi32>
    %add3A_298 = arith.addi %add3A_289, %select_n3A_297 : vector<1x24xi32>
    %slice3A_299 = vector.extract_strided_slice %concatenate3A_241 {offsets = [0, 4], sizes = [1, 1], strides = [1, 1]} : vector<1x8xf32> to vector<1x1xf32>
    %ge3A_300 = vector.broadcast %slice3A_299 : vector<1x1xf32> to vector<1x24xf32>
    %ge3A_301 = arith.cmpf oge, %convert_element_type3A_261, %ge3A_300 : vector<1x24xf32>
    %jit3A_302 = arith.constant 1 : i32
    %jit3A_303 = arith.constant 0 : i32
    %broadcast_in_dim3A_304 = vector.broadcast %jit3A_302 : i32 to vector<1x24xi32>
    %broadcast_in_dim3A_305 = vector.broadcast %jit3A_303 : i32 to vector<1x24xi32>
    %select_n3A_306 = arith.select %ge3A_301, %broadcast_in_dim3A_304, %broadcast_in_dim3A_305 : vector<1x24xi1>, vector<1x24xi32>
    %add3A_307 = arith.addi %add3A_298, %select_n3A_306 : vector<1x24xi32>
    %slice3A_308 = vector.extract_strided_slice %concatenate3A_241 {offsets = [0, 5], sizes = [1, 1], strides = [1, 1]} : vector<1x8xf32> to vector<1x1xf32>
    %ge3A_309 = vector.broadcast %slice3A_308 : vector<1x1xf32> to vector<1x24xf32>
    %ge3A_310 = arith.cmpf oge, %convert_element_type3A_261, %ge3A_309 : vector<1x24xf32>
    %jit3A_311 = arith.constant 1 : i32
    %jit3A_312 = arith.constant 0 : i32
    %broadcast_in_dim3A_313 = vector.broadcast %jit3A_311 : i32 to vector<1x24xi32>
    %broadcast_in_dim3A_314 = vector.broadcast %jit3A_312 : i32 to vector<1x24xi32>
    %select_n3A_315 = arith.select %ge3A_310, %broadcast_in_dim3A_313, %broadcast_in_dim3A_314 : vector<1x24xi1>, vector<1x24xi32>
    %add3A_316 = arith.addi %add3A_307, %select_n3A_315 : vector<1x24xi32>
    %slice3A_317 = vector.extract_strided_slice %concatenate3A_241 {offsets = [0, 6], sizes = [1, 1], strides = [1, 1]} : vector<1x8xf32> to vector<1x1xf32>
    %ge3A_318 = vector.broadcast %slice3A_317 : vector<1x1xf32> to vector<1x24xf32>
    %ge3A_319 = arith.cmpf oge, %convert_element_type3A_261, %ge3A_318 : vector<1x24xf32>
    %jit3A_320 = arith.constant 1 : i32
    %jit3A_321 = arith.constant 0 : i32
    %broadcast_in_dim3A_322 = vector.broadcast %jit3A_320 : i32 to vector<1x24xi32>
    %broadcast_in_dim3A_323 = vector.broadcast %jit3A_321 : i32 to vector<1x24xi32>
    %select_n3A_324 = arith.select %ge3A_319, %broadcast_in_dim3A_322, %broadcast_in_dim3A_323 : vector<1x24xi1>, vector<1x24xi32>
    %add3A_325 = arith.addi %add3A_316, %select_n3A_324 : vector<1x24xi32>
    %slice3A_326 = vector.extract_strided_slice %concatenate3A_241 {offsets = [0, 7], sizes = [1, 1], strides = [1, 1]} : vector<1x8xf32> to vector<1x1xf32>
    %ge3A_327 = vector.broadcast %slice3A_326 : vector<1x1xf32> to vector<1x24xf32>
    %ge3A_328 = arith.cmpf oge, %convert_element_type3A_261, %ge3A_327 : vector<1x24xf32>
    %jit3A_329 = arith.constant 1 : i32
    %jit3A_330 = arith.constant 0 : i32
    %broadcast_in_dim3A_331 = vector.broadcast %jit3A_329 : i32 to vector<1x24xi32>
    %broadcast_in_dim3A_332 = vector.broadcast %jit3A_330 : i32 to vector<1x24xi32>
    %select_n3A_333 = arith.select %ge3A_328, %broadcast_in_dim3A_331, %broadcast_in_dim3A_332 : vector<1x24xi1>, vector<1x24xi32>
    %add3A_334 = arith.addi %add3A_325, %select_n3A_333 : vector<1x24xi32>
    %swap3A_335 = arith.constant 0 : index
    %swap3A_336 = arith.constant 0 : index
    %swap3A_337 = vector.load %arg4[%swap3A_335, %swap3A_336] : memref<1x24xi32, #tpu.memory_space<vmem>>, vector<1x24xi32>
    tpu.vector_store %arg4[%swap3A_335, %swap3A_336], %add3A_334 {strides = array<i32>} : memref<1x24xi32, #tpu.memory_space<vmem>>, vector<1x24xi32>,
    return
  }
}

module attributes {stable_mosaic.version = 14 : i64} {
  func.func @_moe_kernel(%arg0: i32, %arg1: memref<1x24xi32, #tpu.memory_space<smem>>, %arg2: memref<256x768xf32, #tpu.memory_space<vmem>>, %arg3: memref<1x768x512xbf16, #tpu.memory_space<vmem>>, %arg4: memref<1x768x512xbf16, #tpu.memory_space<vmem>>, %arg5: memref<1x512x768xbf16, #tpu.memory_space<vmem>>, %arg6: memref<256x768xf32, #tpu.memory_space<vmem>>) attributes {dimension_semantics = [#tpu.dimension_semantics<arbitrary>], iteration_bounds = array<i64: 24>, scalar_prefetch = 1 : i64, scratch_operands = 0 : i64, tpu.core_type = #tpu.core_type<tc>, window_params = [{transform_indices = @transform_0, window_bounds = array<i64: 256, 768>}, {transform_indices = @transform_1, window_bounds = array<i64: 1, 768, 512>}, {transform_indices = @transform_2, window_bounds = array<i64: 1, 768, 512>}, {transform_indices = @transform_3, window_bounds = array<i64: 1, 512, 768>}, {transform_indices = @transform_4, window_bounds = array<i64: 256, 768>}]} {
    %get3A = arith.constant 0 : index
    %get3A_0 = arith.constant 0 : index
    %get3A_1 = vector.load %arg2[%get3A, %get3A_0] : memref<256x768xf32, #tpu.memory_space<vmem>>, vector<256x768xf32>
    %convert_element_type3A = arith.truncf %get3A_1 : vector<256x768xf32> to vector<256x768xbf16>
    %get3A_2 = arith.constant 0 : index
    %get3A_3 = arith.constant 0 : index
    %get3A_4 = arith.constant 0 : index
    %get3A_5 = vector.load %arg3[%get3A_2, %get3A_3, %get3A_4] : memref<1x768x512xbf16, #tpu.memory_space<vmem>>, vector<1x768x512xbf16>
    %get3A_6 = vector.shape_cast %get3A_5 : vector<1x768x512xbf16> to vector<768x512xbf16>
    %dot_general3A = arith.constant dense<0.000000e+00> : vector<256x512xf32>
    %dot_general3A_7 = tpu.matmul %convert_element_type3A, %get3A_6, %dot_general3A {dimension_numbers = #tpu.dot_dimension_numbers<[1], [0], [0], [1], [0, 0, 1, 1], [], []>, transpose_lhs_hint = false} : vector<256x768xbf16>, vector<768x512xbf16>, vector<256x512xf32> -> vector<256x512xf32>
    %get3A_8 = arith.constant 0 : index
    %get3A_9 = arith.constant 0 : index
    %get3A_10 = arith.constant 0 : index
    %get3A_11 = vector.load %arg4[%get3A_8, %get3A_9, %get3A_10] : memref<1x768x512xbf16, #tpu.memory_space<vmem>>, vector<1x768x512xbf16>
    %get3A_12 = vector.shape_cast %get3A_11 : vector<1x768x512xbf16> to vector<768x512xbf16>
    %dot_general3A_13 = arith.constant dense<0.000000e+00> : vector<256x512xf32>
    %dot_general3A_14 = tpu.matmul %convert_element_type3A, %get3A_12, %dot_general3A_13 {dimension_numbers = #tpu.dot_dimension_numbers<[1], [0], [0], [1], [0, 0, 1, 1], [], []>, transpose_lhs_hint = false} : vector<256x768xbf16>, vector<768x512xbf16>, vector<256x512xf32> -> vector<256x512xf32>
    %logistic3A = arith.negf %dot_general3A_7 : vector<256x512xf32>
    %logistic3A_15 = math.exp %logistic3A : vector<256x512xf32>
    %logistic3A_16 = arith.constant 1.000000e+00 : f32
    %logistic3A_17 = vector.broadcast %logistic3A_16 : f32 to vector<256x512xf32>
    %logistic3A_18 = arith.addf %logistic3A_17, %logistic3A_15 : vector<256x512xf32>
    %logistic3A_19 = arith.divf %logistic3A_17, %logistic3A_18 : vector<256x512xf32>
    %mul3A = arith.mulf %dot_general3A_7, %logistic3A_19 : vector<256x512xf32>
    %mul3A_20 = arith.mulf %mul3A, %dot_general3A_14 : vector<256x512xf32>
    %convert_element_type3A_21 = arith.truncf %mul3A_20 : vector<256x512xf32> to vector<256x512xbf16>
    %get3A_22 = arith.constant 0 : index
    %get3A_23 = arith.constant 0 : index
    %get3A_24 = arith.constant 0 : index
    %get3A_25 = vector.load %arg5[%get3A_22, %get3A_23, %get3A_24] : memref<1x512x768xbf16, #tpu.memory_space<vmem>>, vector<1x512x768xbf16>
    %get3A_26 = vector.shape_cast %get3A_25 : vector<1x512x768xbf16> to vector<512x768xbf16>
    %dot_general3A_27 = arith.constant dense<0.000000e+00> : vector<256x768xf32>
    %dot_general3A_28 = tpu.matmul %convert_element_type3A_21, %get3A_26, %dot_general3A_27 {dimension_numbers = #tpu.dot_dimension_numbers<[1], [0], [0], [1], [0, 0, 1, 1], [], []>, transpose_lhs_hint = false} : vector<256x512xbf16>, vector<512x768xbf16>, vector<256x768xf32> -> vector<256x768xf32>
    %swap3A = arith.constant 0 : index
    %swap3A_29 = arith.constant 0 : index
    %swap3A_30 = vector.load %arg6[%swap3A, %swap3A_29] : memref<256x768xf32, #tpu.memory_space<vmem>>, vector<256x768xf32>
    tpu.vector_store %arg6[%swap3A, %swap3A_29], %dot_general3A_28 {strides = array<i32>} : memref<256x768xf32, #tpu.memory_space<vmem>>, vector<256x768xf32>,
    return
  }
  func.func @transform_0(%arg0: i32, %arg1: memref<1x24xi32, #tpu.memory_space<smem>>) -> (i32, i32) {
    %c0_i32 = arith.constant 0 : i32
    %c0_i32_0 = arith.constant 0 : i32
    return %arg0, %c0_i32 : i32, i32
  }
  func.func @transform_1(%arg0: i32, %arg1: memref<1x24xi32, #tpu.memory_space<smem>>) -> (i32, i32, i32) {
    %get3A = arith.constant 0 : index
    %get3A_0 = arith.index_cast %arg0 : i32 to index
    %get3A_1 = memref.load %arg1[%get3A, %get3A_0] : memref<1x24xi32, #tpu.memory_space<smem>>
    %c0_i32 = arith.constant 0 : i32
    %c0_i32_2 = arith.constant 0 : i32
    %c0_i32_3 = arith.constant 0 : i32
    return %get3A_1, %c0_i32, %c0_i32_2 : i32, i32, i32
  }
  func.func @transform_2(%arg0: i32, %arg1: memref<1x24xi32, #tpu.memory_space<smem>>) -> (i32, i32, i32) {
    %get3A = arith.constant 0 : index
    %get3A_0 = arith.index_cast %arg0 : i32 to index
    %get3A_1 = memref.load %arg1[%get3A, %get3A_0] : memref<1x24xi32, #tpu.memory_space<smem>>
    %c0_i32 = arith.constant 0 : i32
    %c0_i32_2 = arith.constant 0 : i32
    %c0_i32_3 = arith.constant 0 : i32
    return %get3A_1, %c0_i32, %c0_i32_2 : i32, i32, i32
  }
  func.func @transform_3(%arg0: i32, %arg1: memref<1x24xi32, #tpu.memory_space<smem>>) -> (i32, i32, i32) {
    %get3A = arith.constant 0 : index
    %get3A_0 = arith.index_cast %arg0 : i32 to index
    %get3A_1 = memref.load %arg1[%get3A, %get3A_0] : memref<1x24xi32, #tpu.memory_space<smem>>
    %c0_i32 = arith.constant 0 : i32
    %c0_i32_2 = arith.constant 0 : i32
    %c0_i32_3 = arith.constant 0 : i32
    return %get3A_1, %c0_i32, %c0_i32_2 : i32, i32, i32
  }
  func.func @transform_4(%arg0: i32, %arg1: memref<1x24xi32, #tpu.memory_space<smem>>) -> (i32, i32) {
    %c0_i32 = arith.constant 0 : i32
    %c0_i32_0 = arith.constant 0 : i32
    return %arg0, %c0_i32 : i32, i32
  }
}

module attributes {stable_mosaic.version = 14 : i64} {
  func.func @_combine_kernel(%arg0: i32, %arg1: memref<256x768xf32, #tpu.memory_space<vmem>>, %arg2: memref<256x768xf32, #tpu.memory_space<vmem>>, %arg3: memref<256x768xf32, #tpu.memory_space<vmem>>, %arg4: memref<256x2xf32, #tpu.memory_space<vmem>>, %arg5: memref<256x768xf32, #tpu.memory_space<vmem>>) attributes {dimension_semantics = [#tpu.dimension_semantics<arbitrary>], iteration_bounds = array<i64: 8>, scalar_prefetch = 0 : i64, scratch_operands = 0 : i64, tpu.core_type = #tpu.core_type<tc>, window_params = [{transform_indices = @transform_0, window_bounds = array<i64: 256, 768>}, {transform_indices = @transform_1, window_bounds = array<i64: 256, 768>}, {transform_indices = @transform_2, window_bounds = array<i64: 256, 768>}, {transform_indices = @transform_3, window_bounds = array<i64: 256, 2>}, {transform_indices = @transform_4, window_bounds = array<i64: 256, 768>}]} {
    %get3A = arith.constant 0 : index
    %get3A_0 = arith.constant 0 : index
    %get3A_1 = vector.load %arg4[%get3A, %get3A_0] : memref<256x2xf32, #tpu.memory_space<vmem>>, vector<256x2xf32>
    %get3A_2 = arith.constant 0 : index
    %get3A_3 = arith.constant 0 : index
    %get3A_4 = vector.load %arg1[%get3A_2, %get3A_3] : memref<256x768xf32, #tpu.memory_space<vmem>>, vector<256x768xf32>
    %slice3A = vector.extract_strided_slice %get3A_1 {offsets = [0, 0], sizes = [256, 1], strides = [1, 1]} : vector<256x2xf32> to vector<256x1xf32>
    %get3A_5 = arith.constant 0 : index
    %get3A_6 = arith.constant 0 : index
    %get3A_7 = vector.load %arg2[%get3A_5, %get3A_6] : memref<256x768xf32, #tpu.memory_space<vmem>>, vector<256x768xf32>
    %mul3A = vector.broadcast %slice3A : vector<256x1xf32> to vector<256x768xf32>
    %mul3A_8 = arith.mulf %mul3A, %get3A_7 : vector<256x768xf32>
    %add3A = arith.addf %get3A_4, %mul3A_8 : vector<256x768xf32>
    %slice3A_9 = vector.extract_strided_slice %get3A_1 {offsets = [0, 1], sizes = [256, 1], strides = [1, 1]} : vector<256x2xf32> to vector<256x1xf32>
    %get3A_10 = arith.constant 0 : index
    %get3A_11 = arith.constant 0 : index
    %get3A_12 = vector.load %arg3[%get3A_10, %get3A_11] : memref<256x768xf32, #tpu.memory_space<vmem>>, vector<256x768xf32>
    %mul3A_13 = vector.broadcast %slice3A_9 : vector<256x1xf32> to vector<256x768xf32>
    %mul3A_14 = arith.mulf %mul3A_13, %get3A_12 : vector<256x768xf32>
    %add3A_15 = arith.addf %add3A, %mul3A_14 : vector<256x768xf32>
    %swap3A = arith.constant 0 : index
    %swap3A_16 = arith.constant 0 : index
    %swap3A_17 = vector.load %arg5[%swap3A, %swap3A_16] : memref<256x768xf32, #tpu.memory_space<vmem>>, vector<256x768xf32>
    tpu.vector_store %arg5[%swap3A, %swap3A_16], %add3A_15 {strides = array<i32>} : memref<256x768xf32, #tpu.memory_space<vmem>>, vector<256x768xf32>,
    return
  }
  func.func @transform_0(%arg0: i32) -> (i32, i32) {
    %c0_i32 = arith.constant 0 : i32
    %c0_i32_0 = arith.constant 0 : i32
    return %arg0, %c0_i32 : i32, i32
  }
  func.func @transform_1(%arg0: i32) -> (i32, i32) {
    %c0_i32 = arith.constant 0 : i32
    %c0_i32_0 = arith.constant 0 : i32
    return %arg0, %c0_i32 : i32, i32
  }
  func.func @transform_2(%arg0: i32) -> (i32, i32) {
    %c0_i32 = arith.constant 0 : i32
    %c0_i32_0 = arith.constant 0 : i32
    return %arg0, %c0_i32 : i32, i32
  }
  func.func @transform_3(%arg0: i32) -> (i32, i32) {
    %c0_i32 = arith.constant 0 : i32
    %c0_i32_0 = arith.constant 0 : i32
    return %arg0, %c0_i32 : i32, i32
  }
  func.func @transform_4(%arg0: i32) -> (i32, i32) {
    %c0_i32 = arith.constant 0 : i32
    %c0_i32_0 = arith.constant 0 : i32
    return %arg0, %c0_i32 : i32, i32
  }
}

</mosaic_0001>

<sc_bundles>
// kernel: kernel.10.cloned.1.call-start
scs
__scs_entry_jumppad:
0x0: {  	(pc) =	sbr.rel $0x88, $3  }
0x1: {  	(tag) =	ssettag $0x0;
	lr =	simm.s32 $0x1  }
0x2: {  	[smem:$0x3F93] =	sst lr;
	_ =	strace $0xD0000000  }
0x3: {  	_ = 	snop  }
0x4: {  	_ = 	snop  }
0x5: {  	_ = 	snop  }
0x6: {  	_ = 	snop  }
0x7: {  	_ = 	snop  }
__scs_overlays_trampoline_lowered:
0x8: {  	[smem:$0x3FA2] =	sst s0  }
0x9: {  	[smem:$0x3FA3] =	sst s1  }
0xa: {  	[smem:$0x3FA4] =	sst s2  }
0xb: {  	[smem:$0x3FA5] =	sst s3  }
0xc: {  	[smem:$0x3FA6] =	sst s4  }
0xd: {  	[smem:$0x3FA7] =	sst s5  }
0xe: {  	[smem:$0x3FA8] =	sst s6  }
0xf: {  	[smem:$0x3FA9] =	sst s7  }
0x10: {  	[smem:$0x3FAA] =	sst s8  }
0x11: {  	[smem:$0x3FAB] =	sst s9;
	s0 =	simm.s32 @!p0 $0x0  }
0x12: {  	s1 =	sld [smem:$0x3F91];
	s0 =	simm.s32 @p0 $0x1  }
0x13: {  	[smem:$0x3FAC] =	sst s0;
	s0 =	simm.s32 @!p1 $0x0  }
0x14: {  	s2 =	sld [smem:$0x3F90];
	s0 =	simm.s32 @p1 $0x1  }
0x15: {  	[smem:$0x3FAD] =	sst s0;
	s0 =	simm.s32 @!p2 $0x0  }
0x16: {  	s3 =	sld [smem:$0x3FDB];
	s0 =	simm.s32 @p2 $0x1  }
0x17: {  	s4 =	simm.s32 $0x1BF5;
	[smem:$0x3FAF] =	sst s0  }
0x18: {  	s0 =	sld [smem:$0x3F92];
	_ =	swait.ge [sflag:s4], $0x0  }
0x19: {  	s7 =	sld [smem:$0x3F93]  }
0x1a: {  	s8 =	sadd.s32 $0xFFFFE003, lr  }
0x1b: {  	s9 =	sadd.s32 $0xFFFFFEF7, lr;
	s5 =	simm.s32 $0xFFFFFFFF;
	p2 =	slt.u32 s8, $0xFFFFF086  }
0x1c: {  	p1 =	slt.u32 s9, $0xF7A;
	s5 =	simm.s32 @!p2 $0x0  }
0x1d: {  	s5 =	simm.s32 @p1 $0x1;
	p0 =	seq.s32 s7, s2  }
0x1e: {  	s7 =	smul.u32 @!p0 $0xF7A, s2;
	p2 =	seq.s32 @!p0 s5, $0x0  }
0x1f: {  	s9 =	smul.u32 $0xF7A, s1;
	s8 =	simm.s32 @!p0 $0x1BF5;
	p2 =	por !p2, p0  }
0x20: {  	[sflag:s8] =	ssyncset.s32 @!p0 $0xFFFFF086;
	s6 =	sadd.s32 @!p0 s3, s7;
	s7 =	simm.s32 @!p0 $0x108  }
0x21: {  	s3 =	sadd.s32 s3, s9;
	s6 =	sadd.s32 @!p0 $0x88, s6;
	s7 =	simm.s32 @p2 $0x1082  }
0x22: {  	[simem:s7], [sflag:s8] =	dma.local @!p0 [hbm:s6], $0xF7A  }
0x23: {  	s9 =	sor.u32 $0xD0000000, s2;
	s6 =	simm.s32 $0x108;
	_ =	swait.ge @!p0 [sflag:s8], $0x0  }
0x24: {  	s3 =	sadd.s32 $0x88, s3;
	s6 =	simm.s32 @!p1 $0x1082;
	[sflag:s4] =	ssyncset.s32 $0xFFFFF086  }
0x25: {  	[simem:s6], [sflag:s4] =	dma.local [hbm:s3], $0xF7A  }
0x26: {  	[smem:$0x3F93] =	sst s1;
	(tag) =	ssettag s2;
	_ =	strace s9  }
0x27: {  	s1 =	sld [smem:$0x3FA3]  }
0x28: {  	s2 =	sld [smem:$0x3FA4]  }
0x29: {  	s4 =	sld [smem:$0x3FA6]  }
0x2a: {  	p0 =	seq.s32 s5, $0x0;
	s5 =	sld [smem:$0x3FA7]  }
0x2b: {  	s6 =	sld [smem:$0x3FA8]  }
0x2c: {  	s7 =	sld [smem:$0x3FA9]  }
0x2d: {  	s3 =	simm.s32 $0x108;
	s8 =	sld [smem:$0x3FAA]  }
0x2e: {  	s3 =	simm.s32 @!p0 $0x1082;
	s9 =	sld [smem:$0x3FAB]  }
0x2f: {  	lr =	sadd.s32 s0, s3;
	s0 =	sld [smem:$0x3FA2]  }
0x30: {  	s3 =	sld [smem:$0x3FA5]  }
0x31: {  	[smem:$0x3FAE] =	sst s10  }
0x32: {  	s10 =	sld [smem:$0x3FAC];
	_ =	sdelay $0x3  }
0x33: {  	p0 =	seq.s32 s10, $0x1;
	s10 =	sld [smem:$0x3FAE];
	_ =	sdelay $0x3  }
0x34: {  	[smem:$0x3FAE] =	sst s10  }
0x35: {  	s10 =	sld [smem:$0x3FAD];
	_ =	sdelay $0x3  }
0x36: {  	p1 =	seq.s32 s10, $0x1;
	s10 =	sld [smem:$0x3FAE];
	_ =	sdelay $0x3  }
0x37: {  	[smem:$0x3FAE] =	sst s10  }
0x38: {  	s10 =	sld [smem:$0x3FAF]  }
0x39: {  	_ = 	snop;
	(pc) =	sbr.ind lr, $3  }
0x3a: {  	_ = 	snop  }
0x3b: {  	_ = 	snop  }
0x3c: {  	p2 =	seq.s32 s10, $0x1;
	s10 =	sld [smem:$0x3FAE]  }
0x3d: {  	_ =	shalt  }
0x3e: {  	_ =	shalt  }
0x3f: {  	_ =	shalt  }
0x40: {  	_ =	shalt  }
0x41: {  	_ =	shalt  }
0x42: {  	_ =	shalt  }
0x43: {  	_ =	shalt  }
0x44: {  	_ =	shalt  }
0x45: {  	_ =	shalt  }
0x46: {  	_ =	shalt  }
0x47: {  	_ =	shalt  }
0x48: {  	_ =	shalt  }
0x49: {  	_ =	shalt  }
0x4a: {  	_ =	shalt  }
0x4b: {  	_ =	shalt  }
0x4c: {  	_ =	shalt  }
0x4d: {  	_ =	shalt  }
0x4e: {  	_ =	shalt  }
0x4f: {  	_ =	shalt  }
0x50: {  	_ =	shalt  }
0x51: {  	_ =	shalt  }
0x52: {  	_ =	shalt  }
0x53: {  	_ =	shalt  }
0x54: {  	_ =	shalt  }
0x55: {  	_ =	shalt  }
0x56: {  	_ =	shalt  }
0x57: {  	_ =	shalt  }
0x58: {  	_ =	shalt  }
0x59: {  	_ =	shalt  }
0x5a: {  	_ =	shalt  }
0x5b: {  	_ =	shalt  }
0x5c: {  	_ =	shalt  }
0x5d: {  	_ =	shalt  }
0x5e: {  	_ =	shalt  }
0x5f: {  	_ =	shalt  }
0x60: {  	_ =	shalt  }
0x61: {  	_ =	shalt  }
0x62: {  	_ =	shalt  }
0x63: {  	_ =	shalt  }
0x64: {  	_ =	shalt  }
0x65: {  	_ =	shalt  }
0x66: {  	_ =	shalt  }
0x67: {  	_ =	shalt  }
0x68: {  	_ =	shalt  }
0x69: {  	_ =	shalt  }
0x6a: {  	_ =	shalt  }
0x6b: {  	_ =	shalt  }
0x6c: {  	_ =	shalt  }
0x6d: {  	_ =	shalt  }
0x6e: {  	_ =	shalt  }
0x6f: {  	_ =	shalt  }
0x70: {  	_ =	shalt  }
0x71: {  	_ =	shalt  }
0x72: {  	_ =	shalt  }
0x73: {  	_ =	shalt  }
0x74: {  	_ =	shalt  }
0x75: {  	_ =	shalt  }
0x76: {  	_ =	shalt  }
0x77: {  	_ =	shalt  }
0x78: {  	_ =	shalt  }
0x79: {  	_ =	shalt  }
0x7a: {  	_ =	shalt  }
0x7b: {  	_ =	shalt  }
0x7c: {  	_ =	shalt  }
0x7d: {  	_ =	shalt  }
0x7e: {  	_ =	shalt  }
0x7f: {  	_ =	shalt  }
0x80: {  	_ =	shalt  }
0x81: {  	_ =	shalt  }
0x82: {  	_ =	shalt  }
0x83: {  	_ =	shalt  }
0x84: {  	_ =	shalt  }
0x85: {  	_ =	shalt  }
0x86: {  	_ =	shalt  }
0x87: {  	_ =	shalt  }
.Lfunc_end0:
.L_simem_size_0:
called_computation_lowered:
.L_overlay_start_0:
0x88: {  	s2 =	sld [smem:$0x3FD9]  }
0x89: {  	s3 =	sld [smem:$0x3FFE];
	_ =	sdelay $0x1  }
0x8a: {  	s1 =	srdreg.scid  }
0x8b: {  	s0 =	sand.u32 $0x1, s1  }
0x8c: {  	s17 =	sshll.u32 s0, $0xA;
	s2 =	sadd.s32 s3, s2  }
0x8d: {  	s2 =	sadd.s32 s2, s17  }
0x8e: {  	[smem:$0x3FBA] =	sst s2  }
0x8f: {  	_ = 	snop  }
0x90: {  	s2 =	sld [smem:$0x3FD0];
	(tm) =	ssettm $0x1  }
0x91: {  	s18 =	sld [smem:$0x3FFB];
	_ =	sdelay $0x3  }
0x92: {  	_ =	strace s18  }
0x93: {  	s3 =	sld [smem:$0x3FFC];
	_ =	sdelay $0x3  }
0x94: {  	_ =	strace s3  }
0x95: {  	s3 =	sld [smem:$0x3FFD];
	_ =	sdelay $0x3  }
0x96: {  	_ =	strace s3  }
0x97: {  	_ =	strace $0x8FFFFFFF  }
0x98: {  	s19 =	sld [smem:$0x3FDB];
	_ =	sdelay $0x1  }
0x99: {  	s4 =	simm.s32 $_scs_section_size  }
0x9a: {  	s5 =	simm.s32 $_size__tile_overlayer_lowered;
	s6 =	simm.s32 $_tile_overlayer_lowered  }
0x9b: {  	s22 =	simm.s32 $0x1BFF;
	s21 =	sshll.u32 s6, $0x1;
	s3 =	sadd.s32 s4, s19  }
0x9c: {  	s7 =	simm.s32 $0x0;
	s20 =	sshll.u32 s5, $0x1;
	s5 =	sadd.s32 s21, s3  }
0x9d: {  	[timem:s7], [sflag:s22] =	dma.local [hbm:s5], s20  }
0x9e: {  	_ =	swait.ge [sflag:s22], s20  }
0x9f: {  	s4 =	ssub.s32 $0x0, s20;
	[sflag:s22] =	ssyncset.done $0x0  }
0xa0: {  	[sflag:s22] =	ssyncadd.s32 s4;
	_ =	sdelay $0x1  }
0xa1: {  	s23 =	simm.s32 $0x1B8B  }
0xa2: {  	_ =	swait.ge [sflag:s23], $0x1  }
0xa3: {  	[sflag:s23] =	ssyncset.done $0x0  }
0xa4: {  	s25 =	simm.s32 $0x1B8E;
	s24 =	sld [smem:$0x3FFE];
	[sflag:s23] =	ssyncadd.s32 $0xFFFFFFFF  }
0xa5: {  	s26 =	simm.s32 $execute0_lowered;
	[smem:$0x3FD2] =	sst s25  }
0xa6: {  	s5 =	sshll.u32 s26, $0x1;
	_ =	strace $0x80000046;
	[dreg:$0x1] =	wrdreg $0xFFFFFFFF  }
0xa7: {  	s28 =	simm.s32 $_size_execute0_lowered;
	s3 =	sadd.s32 s3, s5;
	[dreg:$0x0] =	wrdreg $0x0  }
0xa8: {  	s5 =	sshll.u32 s28, $0x1;
	[dreg:$0x2] =	wrdreg s3  }
0xa9: {  	[dreg:$0x3] =	wrdreg s5  }
0xaa: {  	[dreg:$0x4] =	wrdreg $0xC0  }
0xab: {  	_ =	task [dreg:s7], $0x5FFFF  }
0xac: {  	[dreg:$0x1] =	wrdreg $0xFFFFFFFF  }
0xad: {  	[dreg:$0x0] =	wrdreg $0x60  }
0xae: {  	[dreg:$0x2] =	wrdreg s2  }
0xaf: {  	[dreg:$0x3] =	wrdreg s24  }
0xb0: {  	[dreg:$0x4] =	wrdreg $0x9  }
0xb1: {  	_ =	task.clear_ibuf [dreg:s7], $0x5FFFF;
	_ =	strace $0x90000046  }
0xb2: {  	s29 =	simm.s32 $0x9;
	_ =	strace $0x80000048  }
0xb3: {  	_ =	swait.ge [sflag:s29], $0x1  }
0xb4: {  	[sflag:s29] =	ssyncadd.s32 $0xFFFFFFFF  }
0xb5: {  	_ =	strace $0x90000048  }
0xb6: {  	_ =	sfence  }
0xb7: {  	s30 =	sld [smem:$0x0];
	_ =	sdelay $0x2  }
0xb8: {  	s31 =	sshll.u32 s1, $0xD;
	s1 =	sshrl.u32 s1, $0x2  }
0xb9: {  	s3 =	sand.u32 $0x4000, s31;
	s1 =	sadd.s32 s1, s30  }
0xba: {  	s0 =	sor.u32 s3, s0;
	s1 =	sshll.u32 s1, $0x11  }
0xbb: {  	s0 =	sor.u32 s1, s0  }
0xbc: {  	s0 =	sadd.s32 $0x8F2B, s0  }
0xbd: {  	[sflag:s0] =	ssyncadd.remote.s32 $0x1  }
0xbe: {  	_ =	sfence.sel $0xFFFF  }
0xbf: {  	[dreg:$0x0] =	wrdreg $0xFFFFFFFF;
	(pc) =	sbr.abs _section_cstart, $3  }
0xc0: {  	[dreg:$0x1] =	wrdreg $0xFFFFFFFF  }
0xc1: {  	_ =	task.clear_ibuf [dreg:s7], $0x2FFFF;
	_ =	strace $0x9FFFFFFF  }
0xc2: {  	(tm) =	ssettm $0x7FFFFFFF  }
0xc3: {  	_ =	shalt  }
tec
execute0_lowered:
.L_overlay_start_1:
0x0: {  	(tag) =	ssettag $0x1  }
0x1: {  	s0 =	srdreg.scid;
	s1 =	rddreg [dreg:$0x0]  }
0x2: {  	s2 =	stileid.u32;
	s5 =	rddreg [dreg:$0x1]  }
0x3: {  	s8 =	simm.s32 $0x2;
	s10 =	simm.s32 $0x880;
	s11 =	simm.s32 $0x1080  }
0x4: {  	s12 =	simm.s32 $0x1880;
	s13 =	simm.s32 $0x2080;
	s14 =	simm.s32 $0x2880  }
0x5: {  	s15 =	simm.s32 $0x3080;
	s16 =	simm.s32 $0x3880;
	s17 =	simm.s32 $0x4080  }
0x6: {  	s18 =	simm.s32 $0x4880;
	s19 =	simm.s32 $0x5080;
	s20 =	simm.s32 $0x5880  }
0x7: {  	s21 =	simm.s32 $0x6080;
	s22 =	simm.s32 $0x6880;
	s23 =	simm.s32 $0x7080  }
0x8: {  	s28 =	simm.s32 $0x9080;
	s29 =	simm.s32 $0x9880;
	s30 =	simm.s32 $0xA080  }
0x9: {  	s0 =	sand.u32 $0x1, s0;
	s3 =	sshll.u32 s2, $0x4;
	s2 =	simm.s32 $0x0  }
0xa: {  	s31 =	simm.s32 $0xA880;
	s4 =	sshll.u32 s0, $0x3;
	[smem:$0x7FF] =	sst s2  }
0xb: {  	s0 =	ssub.s32 $0x2, s0;
	s3 =	sor.u32 s4, s3;
	_ =	strace $0x80000047  }
0xc: {  	s24 =	sshrl.u32 s0, $0x1;
	s4 =	smul.u32 $0x300, s3;
	s6 =	sadd.s32 s3, s5  }
0xd: {  	s3 =	sadd.s32 $0x2800, s5;
	s0 =	ssub.s32 s0, s24;
	s24 =	simm.s32 $0x7880  }
0xe: {  	s25 =	sadd.s32 $0x2600, s6;
	s26 =	sadd.s32 $0x2400, s6;
	s6 =	smax.u32 s0, $0x1  }
0xf: {  	v2 =	vlaneseq.u32;
	s1 =	sadd.s32 s1, s4;
	[dreg:$0x4] =	wrdreg s25;
	s4 =	sadd.s32 $0x2900, s5  }
0x10: {  	vm0 =	vmmov $0xffff;
	v1 =	vshrl.u32 v2, $0x3;
	s5 =	sadd.s32 $0x2A00, s5;
	[dreg:$0x5] =	wrdreg s26;
	s25 =	simm.s32 $0x8080  }
0x11: {  	v0 =	vand.u32 $0x7, v2;
	v2 =	vor.u32 $0x8, v2;
	v1 =	vmul.u32 $0x8, v1;
	s26 =	simm.s32 $0x8880;
	[dreg:$0x3] =	wrdreg s1;
	s1 =	simm.s32 $0x1  }
.LBB2_1:
0x12: {  	s9 =	rddreg [dreg:$0x3];
	s0 =	simm.s32 $0x80  }
0x13: {  	[tilespmem:s0], [sflag:$0x2] =	stream.linear.gather [hbm4b:s9+s2], $0xC000, $0x38;
	[tilespmem:$0xC080] =	vst v63  }
0x14: {  	_ =	swait.ge [sflag:s8], $0xC000  }
0x15: {  	[sflag:s8] =	ssyncset.done $0x0  }
0x16: {  	s7 =	rddreg [dreg:$0x4];
	[sflag:s8] =	ssyncadd.s32 $0xFFFF4000  }
0x17: {  	[tilespmem:s2], [sflag:$0x2] =	stream.linear.gather [hbm4b:s7+s2], $0x40, $0x38;
	[tilespmem:$0xC080] =	vst v63  }
0x18: {  	_ =	swait.ge [sflag:s8], $0x40  }
0x19: {  	[sflag:s8] =	ssyncset.done $0x0  }
0x1a: {  	[sflag:s8] =	ssyncadd.s32 $0xFFFFFFC0  }
0x1b: {  	v3 =	vld [tilespmem:$0x0];
	_ =	sdelay $0x4  }
0x1c: {  	v4 =	vshrl.u32 v3, $0x3  }
0x1d: {  	v4 =	vmul.u32 $0x30, v4  }
0x1e: {  	v3 =	vand.u32 $0x7, v3  }
0x1f: {  	v3 =	vor.u32 v3, v4  }
0x20: {  	v4 =	vperm.xlane v3, v0;
	_ =	sdelay $0x1  }
0x21: {  	v4 =	vadd.s32 v1, v4;
	_ =	sdelay $0x3  }
0x22: {  	v3 =	vperm.xlane v3, v2  }
0x23: {  	[hbm4b:s3+s2] =	stream.indirect_vreg.scatter [tilespmem:s0], [sflag:$0x1], $0x80, v4, vm0, $0xb8;
	[tilespmem:$0xC080] =	vst v63  }
0x24: {  	v3 =	vadd.s32 v1, v3  }
0x25: {  	[hbm4b:s4+s2] =	stream.indirect_vreg.scatter [tilespmem:s10], [sflag:$0x1], $0x80, v4, vm0, $0xb8;
	[tilespmem:$0xC080] =	vst v63  }
0x26: {  	_ = 	snop  }
0x27: {  	[hbm4b:s5+s2] =	stream.indirect_vreg.scatter [tilespmem:s11], [sflag:$0x1], $0x80, v4, vm0, $0xb8;
	[tilespmem:$0xC080] =	vst v63  }
0x28: {  	_ = 	snop  }
0x29: {  	[hbm4b:s3+s2] =	stream.indirect_vreg.scatter [tilespmem:s12], [sflag:$0x1], $0x80, v3, vm0, $0xb8;
	[tilespmem:$0xC080] =	vst v63  }
0x2a: {  	_ = 	snop  }
0x2b: {  	[hbm4b:s4+s2] =	stream.indirect_vreg.scatter [tilespmem:s13], [sflag:$0x1], $0x80, v3, vm0, $0xb8;
	[tilespmem:$0xC080] =	vst v63  }
0x2c: {  	_ = 	snop  }
0x2d: {  	[hbm4b:s5+s2] =	stream.indirect_vreg.scatter [tilespmem:s14], [sflag:$0x1], $0x80, v3, vm0, $0xb8;
	[tilespmem:$0xC080] =	vst v63  }
0x2e: {  	v3 =	vld [tilespmem:$0x10];
	_ =	sdelay $0x4  }
0x2f: {  	v57 =	vshrl.u32 v3, $0x3  }
0x30: {  	v4 =	vmul.u32 $0x30, v57  }
0x31: {  	v3 =	vand.u32 $0x7, v3  }
0x32: {  	v3 =	vor.u32 v3, v4  }
0x33: {  	v4 =	vperm.xlane v3, v0;
	_ =	sdelay $0x1  }
0x34: {  	v4 =	vadd.s32 v1, v4;
	_ =	sdelay $0x3  }
0x35: {  	v3 =	vperm.xlane v3, v2  }
0x36: {  	[hbm4b:s3+s2] =	stream.indirect_vreg.scatter [tilespmem:s15], [sflag:$0x1], $0x80, v4, vm0, $0xb8;
	[tilespmem:$0xC080] =	vst v63  }
0x37: {  	v3 =	vadd.s32 v1, v3  }
0x38: {  	[hbm4b:s4+s2] =	stream.indirect_vreg.scatter [tilespmem:s16], [sflag:$0x1], $0x80, v4, vm0, $0xb8;
	[tilespmem:$0xC080] =	vst v63  }
0x39: {  	_ = 	snop  }
0x3a: {  	[hbm4b:s5+s2] =	stream.indirect_vreg.scatter [tilespmem:s17], [sflag:$0x1], $0x80, v4, vm0, $0xb8;
	[tilespmem:$0xC080] =	vst v63  }
0x3b: {  	_ = 	snop  }
0x3c: {  	[hbm4b:s3+s2] =	stream.indirect_vreg.scatter [tilespmem:s18], [sflag:$0x1], $0x80, v3, vm0, $0xb8;
	[tilespmem:$0xC080] =	vst v63  }
0x3d: {  	_ = 	snop  }
0x3e: {  	[hbm4b:s4+s2] =	stream.indirect_vreg.scatter [tilespmem:s19], [sflag:$0x1], $0x80, v3, vm0, $0xb8;
	[tilespmem:$0xC080] =	vst v63  }
0x3f: {  	_ = 	snop  }
0x40: {  	[hbm4b:s5+s2] =	stream.indirect_vreg.scatter [tilespmem:s20], [sflag:$0x1], $0x80, v3, vm0, $0xb8;
	[tilespmem:$0xC080] =	vst v63  }
0x41: {  	v3 =	vld [tilespmem:$0x20];
	_ =	sdelay $0x4  }
0x42: {  	v58 =	vshrl.u32 v3, $0x3  }
0x43: {  	v4 =	vmul.u32 $0x30, v58  }
0x44: {  	v3 =	vand.u32 $0x7, v3  }
0x45: {  	v3 =	vor.u32 v3, v4  }
0x46: {  	v4 =	vperm.xlane v3, v0;
	_ =	sdelay $0x1  }
0x47: {  	v4 =	vadd.s32 v1, v4;
	_ =	sdelay $0x3  }
0x48: {  	v3 =	vperm.xlane v3, v2  }
0x49: {  	[hbm4b:s3+s2] =	stream.indirect_vreg.scatter [tilespmem:s21], [sflag:$0x1], $0x80, v4, vm0, $0xb8;
	[tilespmem:$0xC080] =	vst v63  }
0x4a: {  	v3 =	vadd.s32 v1, v3  }
0x4b: {  	[hbm4b:s4+s2] =	stream.indirect_vreg.scatter [tilespmem:s22], [sflag:$0x1], $0x80, v4, vm0, $0xb8;
	[tilespmem:$0xC080] =	vst v63  }
0x4c: {  	_ = 	snop  }
0x4d: {  	[hbm4b:s5+s2] =	stream.indirect_vreg.scatter [tilespmem:s23], [sflag:$0x1], $0x80, v4, vm0, $0xb8;
	[tilespmem:$0xC080] =	vst v63  }
0x4e: {  	_ = 	snop  }
0x4f: {  	[hbm4b:s3+s2] =	stream.indirect_vreg.scatter [tilespmem:s24], [sflag:$0x1], $0x80, v3, vm0, $0xb8;
	[tilespmem:$0xC080] =	vst v63  }
0x50: {  	_ = 	snop  }
0x51: {  	[hbm4b:s4+s2] =	stream.indirect_vreg.scatter [tilespmem:s25], [sflag:$0x1], $0x80, v3, vm0, $0xb8;
	[tilespmem:$0xC080] =	vst v63  }
0x52: {  	_ = 	snop  }
0x53: {  	[hbm4b:s5+s2] =	stream.indirect_vreg.scatter [tilespmem:s26], [sflag:$0x1], $0x80, v3, vm0, $0xb8;
	[tilespmem:$0xC080] =	vst v63  }
0x54: {  	v3 =	vld [tilespmem:$0x30];
	_ =	sdelay $0x4  }
0x55: {  	v59 =	vshrl.u32 v3, $0x3  }
0x56: {  	v4 =	vmul.u32 $0x30, v59  }
0x57: {  	v3 =	vand.u32 $0x7, v3  }
0x58: {  	v3 =	vor.u32 v3, v4  }
0x59: {  	v4 =	vperm.xlane v3, v0;
	_ =	sdelay $0x1  }
0x5a: {  	v4 =	vadd.s32 v1, v4;
	_ =	sdelay $0x3  }
0x5b: {  	v3 =	vperm.xlane v3, v2  }
0x5c: {  	[hbm4b:s3+s2] =	stream.indirect_vreg.scatter [tilespmem:s28], [sflag:$0x1], $0x80, v4, vm0, $0xb8;
	[tilespmem:$0xC080] =	vst v63  }
0x5d: {  	v3 =	vadd.s32 v1, v3  }
0x5e: {  	[hbm4b:s4+s2] =	stream.indirect_vreg.scatter [tilespmem:s29], [sflag:$0x1], $0x80, v4, vm0, $0xb8;
	[tilespmem:$0xC080] =	vst v63  }
0x5f: {  	_ = 	snop  }
0x60: {  	[hbm4b:s5+s2] =	stream.indirect_vreg.scatter [tilespmem:s30], [sflag:$0x1], $0x80, v4, vm0, $0xb8;
	[tilespmem:$0xC080] =	vst v63  }
0x61: {  	_ = 	snop  }
0x62: {  	[hbm4b:s3+s2] =	stream.indirect_vreg.scatter [tilespmem:s31], [sflag:$0x1], $0x80, v3, vm0, $0xb8;
	[tilespmem:$0xC080] =	vst v63  }
0x63: {  	s7 =	simm.s32 $0xB080  }
0x64: {  	[hbm4b:s4+s2] =	stream.indirect_vreg.scatter [tilespmem:s7], [sflag:$0x1], $0x80, v3, vm0, $0xb8;
	[tilespmem:$0xC080] =	vst v63  }
0x65: {  	s7 =	simm.s32 $0xB880  }
0x66: {  	[hbm4b:s5+s2] =	stream.indirect_vreg.scatter [tilespmem:s7], [sflag:$0x1], $0x80, v3, vm0, $0xb8;
	[tilespmem:$0xC080] =	vst v63  }
0x67: {  	_ =	swait.ge [sflag:s1], $0xC000  }
0x68: {  	[sflag:s1] =	ssyncset.done $0x0  }
0x69: {  	s9 =	rddreg [dreg:$0x5];
	[sflag:s1] =	ssyncadd.s32 $0xFFFF4000  }
0x6a: {  	[tilespmem:s2], [sflag:$0x2] =	stream.linear.gather [hbm4b:s9+s2], $0x40, $0x38;
	[tilespmem:$0xC080] =	vst v63  }
0x6b: {  	_ =	swait.ge [sflag:s8], $0x40  }
0x6c: {  	[sflag:s8] =	ssyncset.done $0x0  }
0x6d: {  	[sflag:s8] =	ssyncadd.s32 $0xFFFFFFC0  }
0x6e: {  	v3 =	vld [tilespmem:$0x0];
	_ =	sdelay $0x4  }
0x6f: {  	v60 =	vshrl.u32 v3, $0x3  }
0x70: {  	v4 =	vmul.u32 $0x30, v60  }
0x71: {  	v3 =	vand.u32 $0x7, v3  }
0x72: {  	v3 =	vor.u32 v3, v4  }
0x73: {  	v4 =	vperm.xlane v3, v0;
	_ =	sdelay $0x1  }
0x74: {  	v4 =	vadd.s32 v1, v4;
	_ =	sdelay $0x3  }
0x75: {  	v3 =	vperm.xlane v3, v2  }
0x76: {  	[hbm4b:s3+s2] =	stream.indirect_vreg.scatter [tilespmem:s0], [sflag:$0x1], $0x80, v4, vm0, $0xb8;
	[tilespmem:$0xC080] =	vst v63  }
0x77: {  	v3 =	vadd.s32 v1, v3  }
0x78: {  	[hbm4b:s4+s2] =	stream.indirect_vreg.scatter [tilespmem:s10], [sflag:$0x1], $0x80, v4, vm0, $0xb8;
	[tilespmem:$0xC080] =	vst v63  }
0x79: {  	_ = 	snop  }
0x7a: {  	[hbm4b:s5+s2] =	stream.indirect_vreg.scatter [tilespmem:s11], [sflag:$0x1], $0x80, v4, vm0, $0xb8;
	[tilespmem:$0xC080] =	vst v63  }
0x7b: {  	_ = 	snop  }
0x7c: {  	[hbm4b:s3+s2] =	stream.indirect_vreg.scatter [tilespmem:s12], [sflag:$0x1], $0x80, v3, vm0, $0xb8;
	[tilespmem:$0xC080] =	vst v63  }
0x7d: {  	_ = 	snop  }
0x7e: {  	[hbm4b:s4+s2] =	stream.indirect_vreg.scatter [tilespmem:s13], [sflag:$0x1], $0x80, v3, vm0, $0xb8;
	[tilespmem:$0xC080] =	vst v63  }
0x7f: {  	_ = 	snop  }
0x80: {  	[hbm4b:s5+s2] =	stream.indirect_vreg.scatter [tilespmem:s14], [sflag:$0x1], $0x80, v3, vm0, $0xb8;
	[tilespmem:$0xC080] =	vst v63  }
0x81: {  	v3 =	vld [tilespmem:$0x10];
	_ =	sdelay $0x4  }
0x82: {  	v61 =	vshrl.u32 v3, $0x3  }
0x83: {  	v4 =	vmul.u32 $0x30, v61  }
0x84: {  	v3 =	vand.u32 $0x7, v3  }
0x85: {  	v3 =	vor.u32 v3, v4  }
0x86: {  	v4 =	vperm.xlane v3, v0;
	_ =	sdelay $0x1  }
0x87: {  	v4 =	vadd.s32 v1, v4;
	_ =	sdelay $0x3  }
0x88: {  	v3 =	vperm.xlane v3, v2  }
0x89: {  	[hbm4b:s3+s2] =	stream.indirect_vreg.scatter [tilespmem:s15], [sflag:$0x1], $0x80, v4, vm0, $0xb8;
	[tilespmem:$0xC080] =	vst v63  }
0x8a: {  	v3 =	vadd.s32 v1, v3  }
0x8b: {  	[hbm4b:s4+s2] =	stream.indirect_vreg.scatter [tilespmem:s16], [sflag:$0x1], $0x80, v4, vm0, $0xb8;
	[tilespmem:$0xC080] =	vst v63  }
0x8c: {  	_ = 	snop  }
0x8d: {  	[hbm4b:s5+s2] =	stream.indirect_vreg.scatter [tilespmem:s17], [sflag:$0x1], $0x80, v4, vm0, $0xb8;
	[tilespmem:$0xC080] =	vst v63  }
0x8e: {  	_ = 	snop  }
0x8f: {  	[hbm4b:s3+s2] =	stream.indirect_vreg.scatter [tilespmem:s18], [sflag:$0x1], $0x80, v3, vm0, $0xb8;
	[tilespmem:$0xC080] =	vst v63  }
0x90: {  	_ = 	snop  }
0x91: {  	[hbm4b:s4+s2] =	stream.indirect_vreg.scatter [tilespmem:s19], [sflag:$0x1], $0x80, v3, vm0, $0xb8;
	[tilespmem:$0xC080] =	vst v63  }
0x92: {  	_ = 	snop  }
0x93: {  	[hbm4b:s5+s2] =	stream.indirect_vreg.scatter [tilespmem:s20], [sflag:$0x1], $0x80, v3, vm0, $0xb8;
	[tilespmem:$0xC080] =	vst v63  }
0x94: {  	v3 =	vld [tilespmem:$0x20];
	_ =	sdelay $0x4  }
0x95: {  	v62 =	vshrl.u32 v3, $0x3  }
0x96: {  	v4 =	vmul.u32 $0x30, v62  }
0x97: {  	v3 =	vand.u32 $0x7, v3  }
0x98: {  	v3 =	vor.u32 v3, v4  }
0x99: {  	v4 =	vperm.xlane v3, v0;
	_ =	sdelay $0x1  }
0x9a: {  	v4 =	vadd.s32 v1, v4;
	_ =	sdelay $0x3  }
0x9b: {  	v3 =	vperm.xlane v3, v2  }
0x9c: {  	[hbm4b:s3+s2] =	stream.indirect_vreg.scatter [tilespmem:s21], [sflag:$0x1], $0x80, v4, vm0, $0xb8;
	[tilespmem:$0xC080] =	vst v63  }
0x9d: {  	v3 =	vadd.s32 v1, v3  }
0x9e: {  	[hbm4b:s4+s2] =	stream.indirect_vreg.scatter [tilespmem:s22], [sflag:$0x1], $0x80, v4, vm0, $0xb8;
	[tilespmem:$0xC080] =	vst v63  }
0x9f: {  	_ = 	snop  }
0xa0: {  	[hbm4b:s5+s2] =	stream.indirect_vreg.scatter [tilespmem:s23], [sflag:$0x1], $0x80, v4, vm0, $0xb8;
	[tilespmem:$0xC080] =	vst v63  }
0xa1: {  	_ = 	snop  }
0xa2: {  	[hbm4b:s3+s2] =	stream.indirect_vreg.scatter [tilespmem:s24], [sflag:$0x1], $0x80, v3, vm0, $0xb8;
	[tilespmem:$0xC080] =	vst v63  }
0xa3: {  	_ = 	snop  }
0xa4: {  	[hbm4b:s4+s2] =	stream.indirect_vreg.scatter [tilespmem:s25], [sflag:$0x1], $0x80, v3, vm0, $0xb8;
	[tilespmem:$0xC080] =	vst v63  }
0xa5: {  	_ = 	snop  }
0xa6: {  	[hbm4b:s5+s2] =	stream.indirect_vreg.scatter [tilespmem:s26], [sflag:$0x1], $0x80, v3, vm0, $0xb8;
	[tilespmem:$0xC080] =	vst v63  }
0xa7: {  	v3 =	vld [tilespmem:$0x30];
	_ =	sdelay $0x4  }
0xa8: {  	v63 =	vshrl.u32 v3, $0x3  }
0xa9: {  	v4 =	vmul.u32 $0x30, v63  }
0xaa: {  	v3 =	vand.u32 $0x7, v3  }
0xab: {  	v3 =	vor.u32 v3, v4  }
0xac: {  	v4 =	vperm.xlane v3, v0;
	_ =	sdelay $0x1  }
0xad: {  	v4 =	vadd.s32 v1, v4;
	_ =	sdelay $0x3  }
0xae: {  	v3 =	vperm.xlane v3, v2  }
0xaf: {  	[hbm4b:s3+s2] =	stream.indirect_vreg.scatter [tilespmem:s28], [sflag:$0x1], $0x80, v4, vm0, $0xb8;
	[tilespmem:$0xC080] =	vst v63  }
0xb0: {  	v3 =	vadd.s32 v1, v3  }
0xb1: {  	[hbm4b:s4+s2] =	stream.indirect_vreg.scatter [tilespmem:s29], [sflag:$0x1], $0x80, v4, vm0, $0xb8;
	[tilespmem:$0xC080] =	vst v63  }
0xb2: {  	_ = 	snop  }
0xb3: {  	[hbm4b:s5+s2] =	stream.indirect_vreg.scatter [tilespmem:s30], [sflag:$0x1], $0x80, v4, vm0, $0xb8;
	[tilespmem:$0xC080] =	vst v63  }
0xb4: {  	_ = 	snop  }
0xb5: {  	[hbm4b:s3+s2] =	stream.indirect_vreg.scatter [tilespmem:s31], [sflag:$0x1], $0x80, v3, vm0, $0xb8;
	[tilespmem:$0xC080] =	vst v63  }
0xb6: {  	p0 =	sne.s32 s6, $0x1;
	s9 =	simm.s32 $0xB080  }
0xb7: {  	[hbm4b:s4+s2] =	stream.indirect_vreg.scatter [tilespmem:s9], [sflag:$0x1], $0x80, v3, vm0, $0xb8;
	[tilespmem:$0xC080] =	vst v63  }
.Ltmp0:
0xb8: {  	_ = 	snop;
	(pc) =	sbr.rel @p0 .LBB2_1-.Ltmp0, $4  }
0xb9: {  	[hbm4b:s5+s2] =	stream.indirect_vreg.scatter [tilespmem:s7], [sflag:$0x1], $0x80, v3, vm0, $0xb8;
	[tilespmem:$0xC080] =	vst v63  }
0xba: {  	_ =	swait.ge [sflag:s1], $0xC000  }
0xbb: {  	[sflag:s1] =	ssyncset.done $0x0  }
0xbc: {  	s6 =	sadd.s32 $0xFFFFFFFF, s6;
	[sflag:s1] =	ssyncadd.s32 $0xFFFF4000  }
0xbd: {  	_ =	sfence.sel $0x180000  }
0xbe: {  	[bflag:$0x0] =	sbarrier.arrive $0xFFFF  }
0xbf: {  	_ =	strace $0x90000047  }
0xc0: {  	s0 =	stileid.u32;
	[bflag:$0x2] =	sbarrier.arrive $0xFFFF  }
0xc1: {  	p0 =	sne.s32 s0, $0x0;
	s0 =	rddreg [dreg:$0x2]  }
0xc2: {  	s0 =	sadd.s32 @!p0 $0x100000, s0  }
0xc3: {  	[sflag:s0] =	ssyncadd.tile.s32 @!p0 $0x1;
	_ =	shalt  }
.Lfunc_end2:
_tile_overlayer_lowered:
.L_overlay_start_2:
0xc4: {  	(tag) =	ssettag $0x2  }
0xc5: {  	s0 =	rddreg [dreg:$0x0];
	s2 =	stileid.u32  }
0xc6: {  	s1 =	rddreg [dreg:$0x1];
	p0 =	sne.s32 s2, $0x0  }
0xc7: {  	s3 =	rddreg [dreg:$0x2];
	[bflag:$0x3] =	sbarrier.arrive $0xFFFF;
	s2 =	simm.s32 @!p0 $0x1C02  }
0xc8: {  	[timem:s3], [sflag:s2] =	dma.local @!p0 [hbm:s0], s1  }
0xc9: {  	s0 =	simm.s32 @!p0 $0x2  }
0xca: {  	_ =	swait.ge @!p0 [sflag:s0], s1  }
0xcb: {  	s1 =	ssub.s32 @!p0 $0x0, s1;
	[sflag:s0] =	ssyncset.done @!p0 $0x0  }
0xcc: {  	[sflag:s0] =	ssyncadd.s32 @!p0 s1  }
0xcd: {  	[bflag:$0x3] =	sbarrier.arrive $0xFFFF  }
0xce: {  	_ =	shalt  }

// kernel: kernel.13.cloned.1.call-start
scs
__scs_entry_jumppad:
0x0: {  	(pc) =	sbr.rel $0x88, $3  }
0x1: {  	(tag) =	ssettag $0x0;
	lr =	simm.s32 $0x1  }
0x2: {  	[smem:$0x3F93] =	sst lr;
	_ =	strace $0xD0000000  }
0x3: {  	_ = 	snop  }
0x4: {  	_ = 	snop  }
0x5: {  	_ = 	snop  }
0x6: {  	_ = 	snop  }
0x7: {  	_ = 	snop  }
__scs_overlays_trampoline_lowered:
0x8: {  	[smem:$0x3FA2] =	sst s0  }
0x9: {  	[smem:$0x3FA3] =	sst s1  }
0xa: {  	[smem:$0x3FA4] =	sst s2  }
0xb: {  	[smem:$0x3FA5] =	sst s3  }
0xc: {  	[smem:$0x3FA6] =	sst s4  }
0xd: {  	[smem:$0x3FA7] =	sst s5  }
0xe: {  	[smem:$0x3FA8] =	sst s6  }
0xf: {  	[smem:$0x3FA9] =	sst s7  }
0x10: {  	[smem:$0x3FAA] =	sst s8  }
0x11: {  	[smem:$0x3FAB] =	sst s9;
	s0 =	simm.s32 @!p0 $0x0  }
0x12: {  	s1 =	sld [smem:$0x3F91];
	s0 =	simm.s32 @p0 $0x1  }
0x13: {  	[smem:$0x3FAC] =	sst s0;
	s0 =	simm.s32 @!p1 $0x0  }
0x14: {  	s2 =	sld [smem:$0x3F90];
	s0 =	simm.s32 @p1 $0x1  }
0x15: {  	[smem:$0x3FAD] =	sst s0;
	s0 =	simm.s32 @!p2 $0x0  }
0x16: {  	s3 =	sld [smem:$0x3FDB];
	s0 =	simm.s32 @p2 $0x1  }
0x17: {  	s4 =	simm.s32 $0x1BF5;
	[smem:$0x3FAF] =	sst s0  }
0x18: {  	s0 =	sld [smem:$0x3F92];
	_ =	swait.ge [sflag:s4], $0x0  }
0x19: {  	s7 =	sld [smem:$0x3F93]  }
0x1a: {  	s8 =	sadd.s32 $0xFFFFE003, lr  }
0x1b: {  	s9 =	sadd.s32 $0xFFFFFEF7, lr;
	s5 =	simm.s32 $0xFFFFFFFF;
	p2 =	slt.u32 s8, $0xFFFFF086  }
0x1c: {  	p1 =	slt.u32 s9, $0xF7A;
	s5 =	simm.s32 @!p2 $0x0  }
0x1d: {  	s5 =	simm.s32 @p1 $0x1;
	p0 =	seq.s32 s7, s2  }
0x1e: {  	s7 =	smul.u32 @!p0 $0xF7A, s2;
	p2 =	seq.s32 @!p0 s5, $0x0  }
0x1f: {  	s9 =	smul.u32 $0xF7A, s1;
	s8 =	simm.s32 @!p0 $0x1BF5;
	p2 =	por !p2, p0  }
0x20: {  	[sflag:s8] =	ssyncset.s32 @!p0 $0xFFFFF086;
	s6 =	sadd.s32 @!p0 s3, s7;
	s7 =	simm.s32 @!p0 $0x108  }
0x21: {  	s3 =	sadd.s32 s3, s9;
	s6 =	sadd.s32 @!p0 $0x88, s6;
	s7 =	simm.s32 @p2 $0x1082  }
0x22: {  	[simem:s7], [sflag:s8] =	dma.local @!p0 [hbm:s6], $0xF7A  }
0x23: {  	s9 =	sor.u32 $0xD0000000, s2;
	s6 =	simm.s32 $0x108;
	_ =	swait.ge @!p0 [sflag:s8], $0x0  }
0x24: {  	s3 =	sadd.s32 $0x88, s3;
	s6 =	simm.s32 @!p1 $0x1082;
	[sflag:s4] =	ssyncset.s32 $0xFFFFF086  }
0x25: {  	[simem:s6], [sflag:s4] =	dma.local [hbm:s3], $0xF7A  }
0x26: {  	[smem:$0x3F93] =	sst s1;
	(tag) =	ssettag s2;
	_ =	strace s9  }
0x27: {  	s1 =	sld [smem:$0x3FA3]  }
0x28: {  	s2 =	sld [smem:$0x3FA4]  }
0x29: {  	s4 =	sld [smem:$0x3FA6]  }
0x2a: {  	p0 =	seq.s32 s5, $0x0;
	s5 =	sld [smem:$0x3FA7]  }
0x2b: {  	s6 =	sld [smem:$0x3FA8]  }
0x2c: {  	s7 =	sld [smem:$0x3FA9]  }
0x2d: {  	s3 =	simm.s32 $0x108;
	s8 =	sld [smem:$0x3FAA]  }
0x2e: {  	s3 =	simm.s32 @!p0 $0x1082;
	s9 =	sld [smem:$0x3FAB]  }
0x2f: {  	lr =	sadd.s32 s0, s3;
	s0 =	sld [smem:$0x3FA2]  }
0x30: {  	s3 =	sld [smem:$0x3FA5]  }
0x31: {  	[smem:$0x3FAE] =	sst s10  }
0x32: {  	s10 =	sld [smem:$0x3FAC];
	_ =	sdelay $0x3  }
0x33: {  	p0 =	seq.s32 s10, $0x1;
	s10 =	sld [smem:$0x3FAE];
	_ =	sdelay $0x3  }
0x34: {  	[smem:$0x3FAE] =	sst s10  }
0x35: {  	s10 =	sld [smem:$0x3FAD];
	_ =	sdelay $0x3  }
0x36: {  	p1 =	seq.s32 s10, $0x1;
	s10 =	sld [smem:$0x3FAE];
	_ =	sdelay $0x3  }
0x37: {  	[smem:$0x3FAE] =	sst s10  }
0x38: {  	s10 =	sld [smem:$0x3FAF]  }
0x39: {  	_ = 	snop;
	(pc) =	sbr.ind lr, $3  }
0x3a: {  	_ = 	snop  }
0x3b: {  	_ = 	snop  }
0x3c: {  	p2 =	seq.s32 s10, $0x1;
	s10 =	sld [smem:$0x3FAE]  }
0x3d: {  	_ =	shalt  }
0x3e: {  	_ =	shalt  }
0x3f: {  	_ =	shalt  }
0x40: {  	_ =	shalt  }
0x41: {  	_ =	shalt  }
0x42: {  	_ =	shalt  }
0x43: {  	_ =	shalt  }
0x44: {  	_ =	shalt  }
0x45: {  	_ =	shalt  }
0x46: {  	_ =	shalt  }
0x47: {  	_ =	shalt  }
0x48: {  	_ =	shalt  }
0x49: {  	_ =	shalt  }
0x4a: {  	_ =	shalt  }
0x4b: {  	_ =	shalt  }
0x4c: {  	_ =	shalt  }
0x4d: {  	_ =	shalt  }
0x4e: {  	_ =	shalt  }
0x4f: {  	_ =	shalt  }
0x50: {  	_ =	shalt  }
0x51: {  	_ =	shalt  }
0x52: {  	_ =	shalt  }
0x53: {  	_ =	shalt  }
0x54: {  	_ =	shalt  }
0x55: {  	_ =	shalt  }
0x56: {  	_ =	shalt  }
0x57: {  	_ =	shalt  }
0x58: {  	_ =	shalt  }
0x59: {  	_ =	shalt  }
0x5a: {  	_ =	shalt  }
0x5b: {  	_ =	shalt  }
0x5c: {  	_ =	shalt  }
0x5d: {  	_ =	shalt  }
0x5e: {  	_ =	shalt  }
0x5f: {  	_ =	shalt  }
0x60: {  	_ =	shalt  }
0x61: {  	_ =	shalt  }
0x62: {  	_ =	shalt  }
0x63: {  	_ =	shalt  }
0x64: {  	_ =	shalt  }
0x65: {  	_ =	shalt  }
0x66: {  	_ =	shalt  }
0x67: {  	_ =	shalt  }
0x68: {  	_ =	shalt  }
0x69: {  	_ =	shalt  }
0x6a: {  	_ =	shalt  }
0x6b: {  	_ =	shalt  }
0x6c: {  	_ =	shalt  }
0x6d: {  	_ =	shalt  }
0x6e: {  	_ =	shalt  }
0x6f: {  	_ =	shalt  }
0x70: {  	_ =	shalt  }
0x71: {  	_ =	shalt  }
0x72: {  	_ =	shalt  }
0x73: {  	_ =	shalt  }
0x74: {  	_ =	shalt  }
0x75: {  	_ =	shalt  }
0x76: {  	_ =	shalt  }
0x77: {  	_ =	shalt  }
0x78: {  	_ =	shalt  }
0x79: {  	_ =	shalt  }
0x7a: {  	_ =	shalt  }
0x7b: {  	_ =	shalt  }
0x7c: {  	_ =	shalt  }
0x7d: {  	_ =	shalt  }
0x7e: {  	_ =	shalt  }
0x7f: {  	_ =	shalt  }
0x80: {  	_ =	shalt  }
0x81: {  	_ =	shalt  }
0x82: {  	_ =	shalt  }
0x83: {  	_ =	shalt  }
0x84: {  	_ =	shalt  }
0x85: {  	_ =	shalt  }
0x86: {  	_ =	shalt  }
0x87: {  	_ =	shalt  }
.Lfunc_end0:
.L_simem_size_0:
called_computation.1_lowered:
.L_overlay_start_0:
0x88: {  	s2 =	sld [smem:$0x3FD9]  }
0x89: {  	s3 =	sld [smem:$0x3FFE];
	_ =	sdelay $0x1  }
0x8a: {  	s1 =	srdreg.scid  }
0x8b: {  	s0 =	sand.u32 $0x1, s1  }
0x8c: {  	s17 =	sshll.u32 s0, $0xA;
	s2 =	sadd.s32 s3, s2  }
0x8d: {  	s2 =	sadd.s32 s2, s17  }
0x8e: {  	[smem:$0x3FBA] =	sst s2  }
0x8f: {  	_ = 	snop  }
0x90: {  	s2 =	sld [smem:$0x3FD0];
	(tm) =	ssettm $0x1  }
0x91: {  	s18 =	sld [smem:$0x3FFB];
	_ =	sdelay $0x3  }
0x92: {  	_ =	strace s18  }
0x93: {  	s3 =	sld [smem:$0x3FFC];
	_ =	sdelay $0x3  }
0x94: {  	_ =	strace s3  }
0x95: {  	s3 =	sld [smem:$0x3FFD];
	_ =	sdelay $0x3  }
0x96: {  	_ =	strace s3  }
0x97: {  	_ =	strace $0x8FFFFFFF  }
0x98: {  	s19 =	sld [smem:$0x3FDB];
	_ =	sdelay $0x1  }
0x99: {  	s4 =	simm.s32 $_scs_section_size  }
0x9a: {  	s5 =	simm.s32 $_size__tile_overlayer_lowered;
	s6 =	simm.s32 $_tile_overlayer_lowered  }
0x9b: {  	s22 =	simm.s32 $0x1BFF;
	s21 =	sshll.u32 s6, $0x1;
	s3 =	sadd.s32 s4, s19  }
0x9c: {  	s7 =	simm.s32 $0x0;
	s20 =	sshll.u32 s5, $0x1;
	s5 =	sadd.s32 s21, s3  }
0x9d: {  	[timem:s7], [sflag:s22] =	dma.local [hbm:s5], s20  }
0x9e: {  	_ =	swait.ge [sflag:s22], s20  }
0x9f: {  	s4 =	ssub.s32 $0x0, s20;
	[sflag:s22] =	ssyncset.done $0x0  }
0xa0: {  	[sflag:s22] =	ssyncadd.s32 s4;
	_ =	sdelay $0x1  }
0xa1: {  	s23 =	simm.s32 $0x1B8B  }
0xa2: {  	_ =	swait.ge [sflag:s23], $0x1  }
0xa3: {  	[sflag:s23] =	ssyncset.done $0x0  }
0xa4: {  	s25 =	simm.s32 $0x1B8E;
	s24 =	sld [smem:$0x3FFE];
	[sflag:s23] =	ssyncadd.s32 $0xFFFFFFFF  }
0xa5: {  	s26 =	simm.s32 $execute0_lowered;
	[smem:$0x3FD2] =	sst s25  }
0xa6: {  	s5 =	sshll.u32 s26, $0x1;
	_ =	strace $0x80000049;
	[dreg:$0x1] =	wrdreg $0xFFFFFFFF  }
0xa7: {  	s28 =	simm.s32 $_size_execute0_lowered;
	s3 =	sadd.s32 s3, s5;
	[dreg:$0x0] =	wrdreg $0x0  }
0xa8: {  	s5 =	sshll.u32 s28, $0x1;
	[dreg:$0x2] =	wrdreg s3  }
0xa9: {  	[dreg:$0x3] =	wrdreg s5  }
0xaa: {  	[dreg:$0x4] =	wrdreg $0xC0  }
0xab: {  	_ =	task [dreg:s7], $0x5FFFF  }
0xac: {  	[dreg:$0x1] =	wrdreg $0xFFFFFFFF  }
0xad: {  	[dreg:$0x0] =	wrdreg $0x60  }
0xae: {  	[dreg:$0x2] =	wrdreg s24  }
0xaf: {  	[dreg:$0x3] =	wrdreg s2  }
0xb0: {  	[dreg:$0x4] =	wrdreg $0x9  }
0xb1: {  	_ =	task.clear_ibuf [dreg:s7], $0x5FFFF;
	_ =	strace $0x90000049  }
0xb2: {  	s29 =	simm.s32 $0x9;
	_ =	strace $0x8000004B  }
0xb3: {  	_ =	swait.ge [sflag:s29], $0x1  }
0xb4: {  	[sflag:s29] =	ssyncadd.s32 $0xFFFFFFFF  }
0xb5: {  	_ =	strace $0x9000004B  }
0xb6: {  	_ =	sfence  }
0xb7: {  	s30 =	sld [smem:$0x0];
	_ =	sdelay $0x2  }
0xb8: {  	s31 =	sshll.u32 s1, $0xD;
	s1 =	sshrl.u32 s1, $0x2  }
0xb9: {  	s3 =	sand.u32 $0x4000, s31;
	s1 =	sadd.s32 s1, s30  }
0xba: {  	s0 =	sor.u32 s3, s0;
	s1 =	sshll.u32 s1, $0x11  }
0xbb: {  	s0 =	sor.u32 s1, s0  }
0xbc: {  	s0 =	sadd.s32 $0x8F2B, s0  }
0xbd: {  	[sflag:s0] =	ssyncadd.remote.s32 $0x1  }
0xbe: {  	_ =	sfence.sel $0xFFFF  }
0xbf: {  	[dreg:$0x0] =	wrdreg $0xFFFFFFFF;
	(pc) =	sbr.abs _section_cstart, $3  }
0xc0: {  	[dreg:$0x1] =	wrdreg $0xFFFFFFFF  }
0xc1: {  	_ =	task.clear_ibuf [dreg:s7], $0x2FFFF;
	_ =	strace $0x9FFFFFFF  }
0xc2: {  	(tm) =	ssettm $0x7FFFFFFF  }
0xc3: {  	_ =	shalt  }
tec
execute0_lowered:
.L_overlay_start_1:
0x0: {  	(tag) =	ssettag $0x1  }
0x1: {  	s0 =	srdreg.scid;
	s1 =	rddreg [dreg:$0x0]  }
0x2: {  	s2 =	stileid.u32;
	s4 =	rddreg [dreg:$0x1];
	s10 =	simm.s32 $0x880  }
0x3: {  	s11 =	simm.s32 $0x1080;
	s12 =	simm.s32 $0x1880;
	s13 =	simm.s32 $0x2080  }
0x4: {  	s14 =	simm.s32 $0x2880;
	s15 =	simm.s32 $0x3080;
	s16 =	simm.s32 $0x3880  }
0x5: {  	s17 =	simm.s32 $0x4080;
	s18 =	simm.s32 $0x4880;
	s19 =	simm.s32 $0x5080  }
0x6: {  	s20 =	simm.s32 $0x5880;
	s21 =	simm.s32 $0x6080;
	s22 =	simm.s32 $0x6880  }
0x7: {  	s23 =	simm.s32 $0x7080;
	s28 =	simm.s32 $0x9080;
	s29 =	simm.s32 $0x9880  }
0x8: {  	s30 =	simm.s32 $0xA080;
	s31 =	simm.s32 $0xA880;
	s0 =	sand.u32 $0x1, s0  }
0x9: {  	s3 =	sshll.u32 s2, $0x4;
	s2 =	simm.s32 $0x0;
	s5 =	sshll.u32 s0, $0x3  }
0xa: {  	[smem:$0x7FF] =	sst s2;
	s0 =	ssub.s32 $0x2, s0;
	s3 =	sor.u32 s5, s3  }
0xb: {  	_ =	strace $0x8000004A;
	s24 =	sshrl.u32 s0, $0x1;
	s5 =	smul.u32 $0x300, s3  }
0xc: {  	s6 =	sadd.s32 s3, s1;
	s3 =	sadd.s32 $0x92800, s1;
	s0 =	ssub.s32 s0, s24  }
0xd: {  	s24 =	simm.s32 $0x7880;
	s8 =	sadd.s32 $0x2600, s6;
	s25 =	sadd.s32 $0x2400, s6  }
0xe: {  	s6 =	smax.u32 s0, $0x1;
	s0 =	simm.s32 $0x1;
	[dreg:$0x3] =	wrdreg s8  }
0xf: {  	s7 =	sadd.s32 s5, s1;
	s4 =	sadd.s32 s4, s5;
	[dreg:$0x5] =	wrdreg s25  }
0x10: {  	v2 =	vlaneseq.u32;
	s5 =	sadd.s32 $0x92A00, s1;
	s25 =	simm.s32 $0x8080;
	[dreg:$0x4] =	wrdreg s4  }
0x11: {  	vm0 =	vmmov $0xffff;
	v1 =	vshrl.u32 v2, $0x3;
	s26 =	sadd.s32 $0x2800, s7;
	s4 =	sadd.s32 $0x92900, s1;
	s7 =	simm.s32 $0x2  }
0x12: {  	v0 =	vand.u32 $0x7, v2;
	v2 =	vor.u32 $0x8, v2;
	v1 =	vmul.u32 $0x8, v1;
	s1 =	simm.s32 $0x80;
	[dreg:$0x6] =	wrdreg s26;
	s26 =	simm.s32 $0x8880  }
.LBB2_1:
0x13: {  	s9 =	rddreg [dreg:$0x3]  }
0x14: {  	[tilespmem:s2], [sflag:$0x2] =	stream.linear.gather [hbm4b:s9+s2], $0x40, $0x38;
	[tilespmem:$0xC080] =	vst v63  }
0x15: {  	_ =	swait.ge [sflag:s7], $0x40  }
0x16: {  	[sflag:s7] =	ssyncset.done $0x0  }
0x17: {  	[sflag:s7] =	ssyncadd.s32 $0xFFFFFFC0  }
0x18: {  	v3 =	vld [tilespmem:$0x0];
	_ =	sdelay $0x4  }
0x19: {  	v4 =	vshrl.u32 v3, $0x3  }
0x1a: {  	v4 =	vmul.u32 $0x30, v4  }
0x1b: {  	v3 =	vand.u32 $0x7, v3  }
0x1c: {  	v3 =	vor.u32 v3, v4  }
0x1d: {  	v4 =	vperm.xlane v3, v0;
	_ =	sdelay $0x1  }
0x1e: {  	v4 =	vadd.s32 v1, v4;
	_ =	sdelay $0x3  }
0x1f: {  	v3 =	vperm.xlane v3, v2  }
0x20: {  	[tilespmem:s1], [sflag:$0x1] =	stream.indirect_vreg.gather [hbm4b:s3+s2], $0x80, v4, vm0, $0xb8;
	[tilespmem:$0xC080] =	vst v63  }
0x21: {  	v3 =	vadd.s32 v1, v3  }
0x22: {  	[tilespmem:s10], [sflag:$0x1] =	stream.indirect_vreg.gather [hbm4b:s4+s2], $0x80, v4, vm0, $0xb8;
	[tilespmem:$0xC080] =	vst v63  }
0x23: {  	_ = 	snop  }
0x24: {  	[tilespmem:s11], [sflag:$0x1] =	stream.indirect_vreg.gather [hbm4b:s5+s2], $0x80, v4, vm0, $0xb8;
	[tilespmem:$0xC080] =	vst v63  }
0x25: {  	_ = 	snop  }
0x26: {  	[tilespmem:s12], [sflag:$0x1] =	stream.indirect_vreg.gather [hbm4b:s3+s2], $0x80, v3, vm0, $0xb8;
	[tilespmem:$0xC080] =	vst v63  }
0x27: {  	_ = 	snop  }
0x28: {  	[tilespmem:s13], [sflag:$0x1] =	stream.indirect_vreg.gather [hbm4b:s4+s2], $0x80, v3, vm0, $0xb8;
	[tilespmem:$0xC080] =	vst v63  }
0x29: {  	_ = 	snop  }
0x2a: {  	[tilespmem:s14], [sflag:$0x1] =	stream.indirect_vreg.gather [hbm4b:s5+s2], $0x80, v3, vm0, $0xb8;
	[tilespmem:$0xC080] =	vst v63  }
0x2b: {  	v3 =	vld [tilespmem:$0x10];
	_ =	sdelay $0x4  }
0x2c: {  	v57 =	vshrl.u32 v3, $0x3  }
0x2d: {  	v4 =	vmul.u32 $0x30, v57  }
0x2e: {  	v3 =	vand.u32 $0x7, v3  }
0x2f: {  	v3 =	vor.u32 v3, v4  }
0x30: {  	v4 =	vperm.xlane v3, v0;
	_ =	sdelay $0x1  }
0x31: {  	v4 =	vadd.s32 v1, v4;
	_ =	sdelay $0x3  }
0x32: {  	v3 =	vperm.xlane v3, v2  }
0x33: {  	[tilespmem:s15], [sflag:$0x1] =	stream.indirect_vreg.gather [hbm4b:s3+s2], $0x80, v4, vm0, $0xb8;
	[tilespmem:$0xC080] =	vst v63  }
0x34: {  	v3 =	vadd.s32 v1, v3  }
0x35: {  	[tilespmem:s16], [sflag:$0x1] =	stream.indirect_vreg.gather [hbm4b:s4+s2], $0x80, v4, vm0, $0xb8;
	[tilespmem:$0xC080] =	vst v63  }
0x36: {  	_ = 	snop  }
0x37: {  	[tilespmem:s17], [sflag:$0x1] =	stream.indirect_vreg.gather [hbm4b:s5+s2], $0x80, v4, vm0, $0xb8;
	[tilespmem:$0xC080] =	vst v63  }
0x38: {  	_ = 	snop  }
0x39: {  	[tilespmem:s18], [sflag:$0x1] =	stream.indirect_vreg.gather [hbm4b:s3+s2], $0x80, v3, vm0, $0xb8;
	[tilespmem:$0xC080] =	vst v63  }
0x3a: {  	_ = 	snop  }
0x3b: {  	[tilespmem:s19], [sflag:$0x1] =	stream.indirect_vreg.gather [hbm4b:s4+s2], $0x80, v3, vm0, $0xb8;
	[tilespmem:$0xC080] =	vst v63  }
0x3c: {  	_ = 	snop  }
0x3d: {  	[tilespmem:s20], [sflag:$0x1] =	stream.indirect_vreg.gather [hbm4b:s5+s2], $0x80, v3, vm0, $0xb8;
	[tilespmem:$0xC080] =	vst v63  }
0x3e: {  	v3 =	vld [tilespmem:$0x20];
	_ =	sdelay $0x4  }
0x3f: {  	v58 =	vshrl.u32 v3, $0x3  }
0x40: {  	v4 =	vmul.u32 $0x30, v58  }
0x41: {  	v3 =	vand.u32 $0x7, v3  }
0x42: {  	v3 =	vor.u32 v3, v4  }
0x43: {  	v4 =	vperm.xlane v3, v0;
	_ =	sdelay $0x1  }
0x44: {  	v4 =	vadd.s32 v1, v4;
	_ =	sdelay $0x3  }
0x45: {  	v3 =	vperm.xlane v3, v2  }
0x46: {  	[tilespmem:s21], [sflag:$0x1] =	stream.indirect_vreg.gather [hbm4b:s3+s2], $0x80, v4, vm0, $0xb8;
	[tilespmem:$0xC080] =	vst v63  }
0x47: {  	v3 =	vadd.s32 v1, v3  }
0x48: {  	[tilespmem:s22], [sflag:$0x1] =	stream.indirect_vreg.gather [hbm4b:s4+s2], $0x80, v4, vm0, $0xb8;
	[tilespmem:$0xC080] =	vst v63  }
0x49: {  	_ = 	snop  }
0x4a: {  	[tilespmem:s23], [sflag:$0x1] =	stream.indirect_vreg.gather [hbm4b:s5+s2], $0x80, v4, vm0, $0xb8;
	[tilespmem:$0xC080] =	vst v63  }
0x4b: {  	_ = 	snop  }
0x4c: {  	[tilespmem:s24], [sflag:$0x1] =	stream.indirect_vreg.gather [hbm4b:s3+s2], $0x80, v3, vm0, $0xb8;
	[tilespmem:$0xC080] =	vst v63  }
0x4d: {  	_ = 	snop  }
0x4e: {  	[tilespmem:s25], [sflag:$0x1] =	stream.indirect_vreg.gather [hbm4b:s4+s2], $0x80, v3, vm0, $0xb8;
	[tilespmem:$0xC080] =	vst v63  }
0x4f: {  	_ = 	snop  }
0x50: {  	[tilespmem:s26], [sflag:$0x1] =	stream.indirect_vreg.gather [hbm4b:s5+s2], $0x80, v3, vm0, $0xb8;
	[tilespmem:$0xC080] =	vst v63  }
0x51: {  	v3 =	vld [tilespmem:$0x30];
	_ =	sdelay $0x4  }
0x52: {  	v59 =	vshrl.u32 v3, $0x3  }
0x53: {  	v4 =	vmul.u32 $0x30, v59  }
0x54: {  	v3 =	vand.u32 $0x7, v3  }
0x55: {  	v3 =	vor.u32 v3, v4  }
0x56: {  	v4 =	vperm.xlane v3, v0;
	_ =	sdelay $0x1  }
0x57: {  	v4 =	vadd.s32 v1, v4;
	_ =	sdelay $0x3  }
0x58: {  	v3 =	vperm.xlane v3, v2  }
0x59: {  	[tilespmem:s28], [sflag:$0x1] =	stream.indirect_vreg.gather [hbm4b:s3+s2], $0x80, v4, vm0, $0xb8;
	[tilespmem:$0xC080] =	vst v63  }
0x5a: {  	v3 =	vadd.s32 v1, v3  }
0x5b: {  	[tilespmem:s29], [sflag:$0x1] =	stream.indirect_vreg.gather [hbm4b:s4+s2], $0x80, v4, vm0, $0xb8;
	[tilespmem:$0xC080] =	vst v63  }
0x5c: {  	_ = 	snop  }
0x5d: {  	[tilespmem:s30], [sflag:$0x1] =	stream.indirect_vreg.gather [hbm4b:s5+s2], $0x80, v4, vm0, $0xb8;
	[tilespmem:$0xC080] =	vst v63  }
0x5e: {  	_ = 	snop  }
0x5f: {  	[tilespmem:s31], [sflag:$0x1] =	stream.indirect_vreg.gather [hbm4b:s3+s2], $0x80, v3, vm0, $0xb8;
	[tilespmem:$0xC080] =	vst v63  }
0x60: {  	s8 =	simm.s32 $0xB080  }
0x61: {  	[tilespmem:s8], [sflag:$0x1] =	stream.indirect_vreg.gather [hbm4b:s4+s2], $0x80, v3, vm0, $0xb8;
	[tilespmem:$0xC080] =	vst v63  }
0x62: {  	s8 =	simm.s32 $0xB880  }
0x63: {  	[tilespmem:s8], [sflag:$0x1] =	stream.indirect_vreg.gather [hbm4b:s5+s2], $0x80, v3, vm0, $0xb8;
	[tilespmem:$0xC080] =	vst v63  }
0x64: {  	_ =	swait.ge [sflag:s0], $0xC000  }
0x65: {  	[sflag:s0] =	ssyncset.done $0x0  }
0x66: {  	s9 =	rddreg [dreg:$0x4];
	[sflag:s0] =	ssyncadd.s32 $0xFFFF4000  }
0x67: {  	[hbm4b:s9+s2] =	stream.linear.scatter [tilespmem:s1], [sflag:$0x2], $0xC000, $0x38;
	[tilespmem:$0xC080] =	vst v63  }
0x68: {  	_ =	swait.ge [sflag:s7], $0xC000  }
0x69: {  	[sflag:s7] =	ssyncset.done $0x0  }
0x6a: {  	s9 =	rddreg [dreg:$0x5];
	[sflag:s7] =	ssyncadd.s32 $0xFFFF4000  }
0x6b: {  	[tilespmem:s2], [sflag:$0x2] =	stream.linear.gather [hbm4b:s9+s2], $0x40, $0x38;
	[tilespmem:$0xC080] =	vst v63  }
0x6c: {  	_ =	swait.ge [sflag:s7], $0x40  }
0x6d: {  	[sflag:s7] =	ssyncset.done $0x0  }
0x6e: {  	[sflag:s7] =	ssyncadd.s32 $0xFFFFFFC0  }
0x6f: {  	v3 =	vld [tilespmem:$0x0];
	_ =	sdelay $0x4  }
0x70: {  	v60 =	vshrl.u32 v3, $0x3  }
0x71: {  	v4 =	vmul.u32 $0x30, v60  }
0x72: {  	v3 =	vand.u32 $0x7, v3  }
0x73: {  	v3 =	vor.u32 v3, v4  }
0x74: {  	v4 =	vperm.xlane v3, v0;
	_ =	sdelay $0x1  }
0x75: {  	v4 =	vadd.s32 v1, v4;
	_ =	sdelay $0x3  }
0x76: {  	v3 =	vperm.xlane v3, v2  }
0x77: {  	[tilespmem:s1], [sflag:$0x1] =	stream.indirect_vreg.gather [hbm4b:s3+s2], $0x80, v4, vm0, $0xb8;
	[tilespmem:$0xC080] =	vst v63  }
0x78: {  	v3 =	vadd.s32 v1, v3  }
0x79: {  	[tilespmem:s10], [sflag:$0x1] =	stream.indirect_vreg.gather [hbm4b:s4+s2], $0x80, v4, vm0, $0xb8;
	[tilespmem:$0xC080] =	vst v63  }
0x7a: {  	_ = 	snop  }
0x7b: {  	[tilespmem:s11], [sflag:$0x1] =	stream.indirect_vreg.gather [hbm4b:s5+s2], $0x80, v4, vm0, $0xb8;
	[tilespmem:$0xC080] =	vst v63  }
0x7c: {  	_ = 	snop  }
0x7d: {  	[tilespmem:s12], [sflag:$0x1] =	stream.indirect_vreg.gather [hbm4b:s3+s2], $0x80, v3, vm0, $0xb8;
	[tilespmem:$0xC080] =	vst v63  }
0x7e: {  	_ = 	snop  }
0x7f: {  	[tilespmem:s13], [sflag:$0x1] =	stream.indirect_vreg.gather [hbm4b:s4+s2], $0x80, v3, vm0, $0xb8;
	[tilespmem:$0xC080] =	vst v63  }
0x80: {  	_ = 	snop  }
0x81: {  	[tilespmem:s14], [sflag:$0x1] =	stream.indirect_vreg.gather [hbm4b:s5+s2], $0x80, v3, vm0, $0xb8;
	[tilespmem:$0xC080] =	vst v63  }
0x82: {  	v3 =	vld [tilespmem:$0x10];
	_ =	sdelay $0x4  }
0x83: {  	v61 =	vshrl.u32 v3, $0x3  }
0x84: {  	v4 =	vmul.u32 $0x30, v61  }
0x85: {  	v3 =	vand.u32 $0x7, v3  }
0x86: {  	v3 =	vor.u32 v3, v4  }
0x87: {  	v4 =	vperm.xlane v3, v0;
	_ =	sdelay $0x1  }
0x88: {  	v4 =	vadd.s32 v1, v4;
	_ =	sdelay $0x3  }
0x89: {  	v3 =	vperm.xlane v3, v2  }
0x8a: {  	[tilespmem:s15], [sflag:$0x1] =	stream.indirect_vreg.gather [hbm4b:s3+s2], $0x80, v4, vm0, $0xb8;
	[tilespmem:$0xC080] =	vst v63  }
0x8b: {  	v3 =	vadd.s32 v1, v3  }
0x8c: {  	[tilespmem:s16], [sflag:$0x1] =	stream.indirect_vreg.gather [hbm4b:s4+s2], $0x80, v4, vm0, $0xb8;
	[tilespmem:$0xC080] =	vst v63  }
0x8d: {  	_ = 	snop  }
0x8e: {  	[tilespmem:s17], [sflag:$0x1] =	stream.indirect_vreg.gather [hbm4b:s5+s2], $0x80, v4, vm0, $0xb8;
	[tilespmem:$0xC080] =	vst v63  }
0x8f: {  	_ = 	snop  }
0x90: {  	[tilespmem:s18], [sflag:$0x1] =	stream.indirect_vreg.gather [hbm4b:s3+s2], $0x80, v3, vm0, $0xb8;
	[tilespmem:$0xC080] =	vst v63  }
0x91: {  	_ = 	snop  }
0x92: {  	[tilespmem:s19], [sflag:$0x1] =	stream.indirect_vreg.gather [hbm4b:s4+s2], $0x80, v3, vm0, $0xb8;
	[tilespmem:$0xC080] =	vst v63  }
0x93: {  	_ = 	snop  }
0x94: {  	[tilespmem:s20], [sflag:$0x1] =	stream.indirect_vreg.gather [hbm4b:s5+s2], $0x80, v3, vm0, $0xb8;
	[tilespmem:$0xC080] =	vst v63  }
0x95: {  	v3 =	vld [tilespmem:$0x20];
	_ =	sdelay $0x4  }
0x96: {  	v62 =	vshrl.u32 v3, $0x3  }
0x97: {  	v4 =	vmul.u32 $0x30, v62  }
0x98: {  	v3 =	vand.u32 $0x7, v3  }
0x99: {  	v3 =	vor.u32 v3, v4  }
0x9a: {  	v4 =	vperm.xlane v3, v0;
	_ =	sdelay $0x1  }
0x9b: {  	v4 =	vadd.s32 v1, v4;
	_ =	sdelay $0x3  }
0x9c: {  	v3 =	vperm.xlane v3, v2  }
0x9d: {  	[tilespmem:s21], [sflag:$0x1] =	stream.indirect_vreg.gather [hbm4b:s3+s2], $0x80, v4, vm0, $0xb8;
	[tilespmem:$0xC080] =	vst v63  }
0x9e: {  	v3 =	vadd.s32 v1, v3  }
0x9f: {  	[tilespmem:s22], [sflag:$0x1] =	stream.indirect_vreg.gather [hbm4b:s4+s2], $0x80, v4, vm0, $0xb8;
	[tilespmem:$0xC080] =	vst v63  }
0xa0: {  	_ = 	snop  }
0xa1: {  	[tilespmem:s23], [sflag:$0x1] =	stream.indirect_vreg.gather [hbm4b:s5+s2], $0x80, v4, vm0, $0xb8;
	[tilespmem:$0xC080] =	vst v63  }
0xa2: {  	_ = 	snop  }
0xa3: {  	[tilespmem:s24], [sflag:$0x1] =	stream.indirect_vreg.gather [hbm4b:s3+s2], $0x80, v3, vm0, $0xb8;
	[tilespmem:$0xC080] =	vst v63  }
0xa4: {  	_ = 	snop  }
0xa5: {  	[tilespmem:s25], [sflag:$0x1] =	stream.indirect_vreg.gather [hbm4b:s4+s2], $0x80, v3, vm0, $0xb8;
	[tilespmem:$0xC080] =	vst v63  }
0xa6: {  	_ = 	snop  }
0xa7: {  	[tilespmem:s26], [sflag:$0x1] =	stream.indirect_vreg.gather [hbm4b:s5+s2], $0x80, v3, vm0, $0xb8;
	[tilespmem:$0xC080] =	vst v63  }
0xa8: {  	v3 =	vld [tilespmem:$0x30];
	_ =	sdelay $0x4  }
0xa9: {  	v63 =	vshrl.u32 v3, $0x3  }
0xaa: {  	v4 =	vmul.u32 $0x30, v63  }
0xab: {  	v3 =	vand.u32 $0x7, v3  }
0xac: {  	v3 =	vor.u32 v3, v4  }
0xad: {  	v4 =	vperm.xlane v3, v0;
	_ =	sdelay $0x1  }
0xae: {  	v4 =	vadd.s32 v1, v4;
	_ =	sdelay $0x3  }
0xaf: {  	v3 =	vperm.xlane v3, v2  }
0xb0: {  	[tilespmem:s28], [sflag:$0x1] =	stream.indirect_vreg.gather [hbm4b:s3+s2], $0x80, v4, vm0, $0xb8;
	[tilespmem:$0xC080] =	vst v63  }
0xb1: {  	v3 =	vadd.s32 v1, v3  }
0xb2: {  	[tilespmem:s29], [sflag:$0x1] =	stream.indirect_vreg.gather [hbm4b:s4+s2], $0x80, v4, vm0, $0xb8;
	[tilespmem:$0xC080] =	vst v63  }
0xb3: {  	_ = 	snop  }
0xb4: {  	[tilespmem:s30], [sflag:$0x1] =	stream.indirect_vreg.gather [hbm4b:s5+s2], $0x80, v4, vm0, $0xb8;
	[tilespmem:$0xC080] =	vst v63  }
0xb5: {  	_ = 	snop  }
0xb6: {  	[tilespmem:s31], [sflag:$0x1] =	stream.indirect_vreg.gather [hbm4b:s3+s2], $0x80, v3, vm0, $0xb8;
	[tilespmem:$0xC080] =	vst v63  }
0xb7: {  	s9 =	simm.s32 $0xB080  }
0xb8: {  	[tilespmem:s9], [sflag:$0x1] =	stream.indirect_vreg.gather [hbm4b:s4+s2], $0x80, v3, vm0, $0xb8;
	[tilespmem:$0xC080] =	vst v63  }
0xb9: {  	_ = 	snop  }
0xba: {  	[tilespmem:s8], [sflag:$0x1] =	stream.indirect_vreg.gather [hbm4b:s5+s2], $0x80, v3, vm0, $0xb8;
	[tilespmem:$0xC080] =	vst v63  }
0xbb: {  	_ =	swait.ge [sflag:s0], $0xC000  }
0xbc: {  	p0 =	sne.s32 s6, $0x1;
	[sflag:s0] =	ssyncset.done $0x0  }
.Ltmp0:
0xbd: {  	s8 =	rddreg [dreg:$0x6];
	[sflag:s0] =	ssyncadd.s32 $0xFFFF4000;
	(pc) =	sbr.rel @p0 .LBB2_1-.Ltmp0, $4  }
0xbe: {  	[hbm4b:s8+s2] =	stream.linear.scatter [tilespmem:s1], [sflag:$0x2], $0xC000, $0x38;
	[tilespmem:$0xC080] =	vst v63  }
0xbf: {  	_ =	swait.ge [sflag:s7], $0xC000  }
0xc0: {  	[sflag:s7] =	ssyncset.done $0x0  }
0xc1: {  	s6 =	sadd.s32 $0xFFFFFFFF, s6;
	[sflag:s7] =	ssyncadd.s32 $0xFFFF4000  }
0xc2: {  	_ =	sfence.sel $0x180000  }
0xc3: {  	[bflag:$0x0] =	sbarrier.arrive $0xFFFF  }
0xc4: {  	_ =	strace $0x9000004A  }
0xc5: {  	s0 =	stileid.u32;
	[bflag:$0x2] =	sbarrier.arrive $0xFFFF  }
0xc6: {  	p0 =	sne.s32 s0, $0x0;
	s0 =	rddreg [dreg:$0x2]  }
0xc7: {  	s0 =	sadd.s32 @!p0 $0x100000, s0  }
0xc8: {  	[sflag:s0] =	ssyncadd.tile.s32 @!p0 $0x1;
	_ =	shalt  }
.Lfunc_end2:
_tile_overlayer_lowered:
.L_overlay_start_2:
0xc9: {  	(tag) =	ssettag $0x2  }
0xca: {  	s0 =	rddreg [dreg:$0x0];
	s2 =	stileid.u32  }
0xcb: {  	s1 =	rddreg [dreg:$0x1];
	p0 =	sne.s32 s2, $0x0  }
0xcc: {  	s3 =	rddreg [dreg:$0x2];
	[bflag:$0x3] =	sbarrier.arrive $0xFFFF;
	s2 =	simm.s32 @!p0 $0x1C02  }
0xcd: {  	[timem:s3], [sflag:s2] =	dma.local @!p0 [hbm:s0], s1  }
0xce: {  	s0 =	simm.s32 @!p0 $0x2  }
0xcf: {  	_ =	swait.ge @!p0 [sflag:s0], s1  }
0xd0: {  	s1 =	ssub.s32 @!p0 $0x0, s1;
	[sflag:s0] =	ssyncset.done @!p0 $0x0  }
0xd1: {  	[sflag:s0] =	ssyncadd.s32 @!p0 s1  }
0xd2: {  	[bflag:$0x3] =	sbarrier.arrive $0xFFFF  }
0xd3: {  	_ =	shalt  }

</sc_bundles>
